<compile_context>
chip_gen: v7x
topology: tpu7x:2x2x1
jax: 0.10.2.dev20260603
libtpu: 0.0.44.dev20260713+nightly
codegen_flags: <defaults>
</compile_context>

<pallas_src>
import math

import jax
import jax.numpy as jnp
from jax import lax
from jax.experimental import pallas as pl
from jax.experimental.pallas import tpu as pltpu
from jax.experimental.pallas import tpu_sc as plsc

NC, NS, L = 2, 16, 16
NW = NC * NS

BETA1, BETA2 = 0.9, 0.999
EPS = 1e-15
LR = 1e-3
STEP = 1
_BC1 = 1.0 - BETA1 ** STEP
_BC2 = 1.0 - BETA2 ** STEP
STEP_SIZE = LR / _BC1
INV_SQRT_BC2 = 1.0 / math.sqrt(_BC2)

CHUNK = 128
TCB_T = 2048
TCB_G = 512


def _remap(p, tcb):
    h = tcb // 2
    return 2 * (h * (p // tcb) + (p % h)) + ((p // h) & 1)


def _t_in_body(*refs):
    n = len(refs) // 2
    h = refs[0].shape[1] // 2
    for x, o in zip(refs[:n], refs[n:]):
        o[:, 0:64] = jnp.transpose(x[:, 0:h])
        o[:, 64:128] = jnp.transpose(x[:, h:2 * h])


def _t_in(xs, tcb):
    N = xs[0].shape[1]
    nb = pl.cdiv(N, tcb)
    rpad = nb * (tcb // 2)
    out = pl.pallas_call(
        _t_in_body,
        grid=(nb,),
        in_specs=[pl.BlockSpec((64, tcb), lambda i: (0, i))] * len(xs),
        out_specs=[pl.BlockSpec((tcb // 2, 128), lambda i: (i, 0))] * len(xs),
        out_shape=[jax.ShapeDtypeStruct((rpad, 128), jnp.float32)] * len(xs),
    )(*xs)
    return out


def _t_out_body(*refs):
    n = len(refs) // 2
    h = refs[n].shape[1] // 2
    for x, o in zip(refs[:n], refs[n:]):
        o[:, 0:h] = jnp.transpose(x[:, 0:64])
        o[:, h:2 * h] = jnp.transpose(x[:, 64:128])


def _t_out(xs, N, tcb):
    nb = pl.cdiv(N, tcb)
    out = pl.pallas_call(
        _t_out_body,
        grid=(nb,),
        in_specs=[pl.BlockSpec((tcb // 2, 128), lambda i: (i, 0))] * len(xs),
        out_specs=[pl.BlockSpec((64, tcb), lambda i: (0, i))] * len(xs),
        out_shape=[jax.ShapeDtypeStruct((64, N), jnp.float32)] * len(xs),
    )(*xs)
    return out


def _adam_vec(p, ea, eas, g):
    ea2 = ea * BETA1 + g * (1.0 - BETA1)
    eas2 = eas * BETA2 + (g * g) * (1.0 - BETA2)
    bits = lax.bitcast_convert_type(eas2, jnp.int32)
    y = lax.bitcast_convert_type(jnp.int32(0x5F3759DF) - (bits >> 1),
                                 jnp.float32)
    xh = eas2 * 0.5
    y = y * (1.5 - xh * y * y)
    y = y * (1.5 - xh * y * y)
    y = y * (1.5 - xh * y * y)
    root = eas2 * y
    denom = root * INV_SQRT_BC2 + EPS
    p2 = p - STEP_SIZE * (ea2 / denom)
    return p2, ea2, eas2


def _stage_grad(g_hbm2, g_v, c):
    base_g = 256 * (c // 4) + 128 * (c % 2)
    c0 = 64 * ((c // 2) % 2)
    pltpu.sync_copy(g_hbm2.at[pl.ds(base_g, CHUNK), pl.ds(c0, 64)], g_v)


def _sc_body(p_hbm, ea_hbm, eas_hbm, g_hbm2, idx_hbm,
             idx_v, p_v, ea_v, eas_v, g_v, sem):
    wid = lax.axis_index("s") * NC + lax.axis_index("c")
    n_chunks = idx_hbm.shape[0] // NW
    pltpu.sync_copy(idx_hbm.at[pl.ds(wid * n_chunks, n_chunks)], idx_v)

    def chunk_body(j, _):
        _stage_grad(g_hbm2, g_v, wid * n_chunks + j)
        idx_row = idx_v.at[j]
        d1 = pltpu.async_copy(p_hbm.at[idx_row], p_v, sem)
        d2 = pltpu.async_copy(ea_hbm.at[idx_row], ea_v, sem)
        d3 = pltpu.async_copy(eas_hbm.at[idx_row], eas_v, sem)
        d1.wait()
        d2.wait()
        d3.wait()

        def row_body(i, _):
            for l in range(4):
                sl = pl.ds(l * L, L)
                p2, ea2, eas2 = _adam_vec(
                    p_v[i, sl], ea_v[i, sl], eas_v[i, sl], g_v[i, sl])
                p_v[i, sl] = p2
                ea_v[i, sl] = ea2
                eas_v[i, sl] = eas2
            return 0

        lax.fori_loop(0, CHUNK, row_body, 0)

        s1 = pltpu.async_copy(p_v, p_hbm.at[idx_row], sem)
        s2 = pltpu.async_copy(ea_v, ea_hbm.at[idx_row], sem)
        s3 = pltpu.async_copy(eas_v, eas_hbm.at[idx_row], sem)
        s1.wait()
        s2.wait()
        s3.wait()
        return 0

    lax.fori_loop(0, n_chunks, chunk_body, 0)


def kernel(param, grad, exp_avg, exp_avg_sq, index):
    M, D = param.shape
    B = index.shape[0]
    assert B % (NW * 4 * CHUNK) == 0 and D == 64

    idxr = _remap(index.astype(jnp.int32), TCB_T)
    idx2d = idxr.reshape(B // CHUNK, CHUNK)

    p2, ea2, eas2 = _t_in([param.T, exp_avg.T, exp_avg_sq.T], TCB_T)
    (g2,) = _t_in([grad.T], TCB_G)

    mpad = 2 * p2.shape[0]
    p_ref = jax.new_ref(p2.reshape(mpad, D))
    ea_ref = jax.new_ref(ea2.reshape(mpad, D))
    eas_ref = jax.new_ref(eas2.reshape(mpad, D))

    mesh = plsc.VectorSubcoreMesh(
        core_axis_name="c", subcore_axis_name="s",
        num_cores=NC, num_subcores=NS)
    n_chunks = (B // CHUNK) // NW
    _vm = lambda: pltpu.VMEM((CHUNK, D), jnp.float32)
    sc_update = pl.kernel(
        _sc_body, out_type=(), mesh=mesh,
        compiler_params=pltpu.CompilerParams(use_tc_tiling_on_sc=False),
        scratch_types=[
            pltpu.VMEM((n_chunks, CHUNK), jnp.int32),
            _vm(), _vm(), _vm(), _vm(),
            pltpu.SemaphoreType.DMA,
        ],
    )
    sc_update(p_ref, ea_ref, eas_ref, g2, idx2d)
    po, eao, easo = _t_out(
        [p_ref[...].reshape(mpad // 2, 2 * D),
         ea_ref[...].reshape(mpad // 2, 2 * D),
         eas_ref[...].reshape(mpad // 2, 2 * D)], M, TCB_T)
    return po.T, eao.T, easo.T

# --- scband reference (transcript-rebuilt; emitter-appended) ---
"""Pipeline reference for scband-sparse-optimizer-30477087932493 (READ-ONLY COPY).

The authoritative reference and input builder live on the scoring server;
editing this copy changes nothing except your own understanding.
"""

import jax, jax.numpy as jnp
import numpy as np
import math

M, D, B = 500000, 64, 131072

def setup_inputs(seed: int = 0) -> dict:
    key = jax.random.key(seed)
    k1, k2, k3, k4, k5 = jax.random.split(key, 5)
    param = jax.random.normal(k1, (M, D), dtype=jnp.float32)
    grad = jax.random.normal(k2, (B, D), dtype=jnp.float32) * 0.01
    exp_avg = jax.random.normal(k3, (M, D), dtype=jnp.float32) * 0.01
    exp_avg_sq = jax.random.uniform(k4, (M, D), dtype=jnp.float32) * 1e-4
    # unique visible-point indices (permutation avoids duplicate-scatter ambiguity)
    index = jax.random.permutation(k5, M)[:B]
    return {"param": param, "grad": grad, "exp_avg": exp_avg, "exp_avg_sq": exp_avg_sq, "index": index}

def reference(param, grad, exp_avg, exp_avg_sq, index):
    # Faithful translation of SparseOptimizer.step with one optimize key,
    # scalar global step (global_steps.item() path), lr from lr_dict, no amsgrad.
    beta1, beta2 = 0.9, 0.999
    eps = 1e-15
    lr = 1e-3
    step = 1  # global_steps after the increment in step()
    # index_select_optimizer: gather states and params for visible points
    p = jnp.take(param, index, axis=0)
    ea = jnp.take(exp_avg, index, axis=0)
    eas = jnp.take(exp_avg_sq, index, axis=0)
    # _single_tensor_adam
    ea = ea * beta1 + grad * (1.0 - beta1)
    eas = eas * beta2 + (grad * grad) * (1.0 - beta2)
    bias_correction1 = 1.0 - beta1 ** step
    bias_correction2 = 1.0 - beta2 ** step
    step_size = lr / bias_correction1
    denom = jnp.sqrt(eas) / math.sqrt(bias_correction2) + eps
    p_new = p - step_size * (ea / denom)
    # scatter updated params and optimizer states back (index_update_optimizer)
    param_out = param.at[index].set(p_new)
    exp_avg_out = exp_avg.at[index].set(ea)
    exp_avg_sq_out = exp_avg_sq.at[index].set(eas)
    return (param_out, exp_avg_out, exp_avg_sq_out)

if __name__ == "__main__":
    import jax
    _d = setup_inputs()
    print(jax.jit(kernel)(*tuple(_d.values())))

</pallas_src>

<mosaic_0001>
#map = affine_map<(d0, d1) -> (0, 0)>
module attributes {stable_mosaic.version = 14 : i64} {
  func.func @new_body(%arg0: i32, %arg1: i32, %arg2: memref<501760x64xf32, #tpu.memory_space<hbm>>, %arg3: memref<501760x64xf32, #tpu.memory_space<hbm>>, %arg4: memref<501760x64xf32, #tpu.memory_space<hbm>>, %arg5: memref<65536x128xf32, #tpu.memory_space<hbm>>, %arg6: memref<1024x128xi32, #tpu.memory_space<hbm>>, %arg7: memref<501760x64xf32, #tpu.memory_space<hbm>>, %arg8: memref<501760x64xf32, #tpu.memory_space<hbm>>, %arg9: memref<501760x64xf32, #tpu.memory_space<hbm>>, %arg10: memref<32x128xi32, #tpu.memory_space<vmem>>, %arg11: memref<128x64xf32, #tpu.memory_space<vmem>>, %arg12: memref<128x64xf32, #tpu.memory_space<vmem>>, %arg13: memref<128x64xf32, #tpu.memory_space<vmem>>, %arg14: memref<128x64xf32, #tpu.memory_space<vmem>>, %arg15: memref<!tpu.dma_semaphore, #tpu.memory_space<semaphore_mem>>) attributes {dimension_semantics = [#tpu.dimension_semantics<core_parallel>, #tpu.dimension_semantics<subcore_parallel>], iteration_bounds = array<i64: 2, 16>, scalar_prefetch = 0 : i64, scratch_operands = 6 : i64, tpu.core_type = #tpu.core_type<sc_vector_subcore>, window_params = [{transform_indices = #map}, {transform_indices = #map}, {transform_indices = #map}, {transform_indices = #map}, {transform_indices = #map}, {transform_indices = #map}, {transform_indices = #map}, {transform_indices = #map}]} {
    %mul3A = arith.constant 2 : i32
    %mul3A_0 = arith.muli %arg1, %mul3A : i32
    %add3A = arith.addi %mul3A_0, %arg0 : i32
    %mul3A_1 = arith.constant 32 : i32
    %mul3A_2 = arith.muli %add3A, %mul3A_1 : i32
    "tpu.region"() ({
      %run_scoped3A = tpu.sem_alloc : memref<!tpu.dma_semaphore, #tpu.memory_space<semaphore_mem>>
      %dma_start3A = arith.constant 0 : i32
      %dma_start3A_9 = tpu.memref_slice %arg6[%mul3A_2, %dma_start3A] : memref<1024x128xi32, #tpu.memory_space<hbm>> -> memref<32x128xi32, #tpu.memory_space<hbm>>
      %dma_start3A_10 = arith.constant 0 : i32
      %dma_start3A_11 = tpu.memref_slice %arg6[%mul3A_2, %dma_start3A_10] : memref<1024x128xi32, #tpu.memory_space<hbm>> -> memref<32x128xi32, #tpu.memory_space<hbm>>
      tpu.enqueue_dma source(%dma_start3A_11 : memref<32x128xi32, #tpu.memory_space<hbm>>) target(%arg10 : memref<32x128xi32, #tpu.memory_space<vmem>>) target_semaphore(%run_scoped3A : memref<!tpu.dma_semaphore, #tpu.memory_space<semaphore_mem>>)
      %dma_wait3A = arith.constant 0 : i32
      %dma_wait3A_12 = tpu.memref_slice %arg6[%mul3A_2, %dma_wait3A] : memref<1024x128xi32, #tpu.memory_space<hbm>> -> memref<32x128xi32, #tpu.memory_space<hbm>>
      %dma_wait3A_13 = arith.constant 0 : i32
      %dma_wait3A_14 = tpu.memref_slice %arg6[%mul3A_2, %dma_wait3A_13] : memref<1024x128xi32, #tpu.memory_space<hbm>> -> memref<32x128xi32, #tpu.memory_space<hbm>>
      tpu.wait_dma2 semaphore(%run_scoped3A : memref<!tpu.dma_semaphore, #tpu.memory_space<semaphore_mem>>) src(%dma_wait3A_14 : memref<32x128xi32, #tpu.memory_space<hbm>>) dst(%arg10 : memref<32x128xi32, #tpu.memory_space<vmem>>)
      tpu.yield
    }) : () -> ()
    %scan3A = arith.constant 0 : i32
    %scan3A_3 = arith.constant 0 : i32
    %scan3A_4 = arith.constant 32 : i32
    %scan3A_5 = arith.addi %scan3A_3, %scan3A_4 : i32
    %scan3A_6 = arith.constant 1 : i32
    %scan3A_7 = scf.for %scan3A_9 = %scan3A_3 to %scan3A_5 step %scan3A_6 iter_args(%scan3A_10 = %scan3A) -> (i32)  : i32 {
      %mul3A_11 = arith.constant 32 : i32
      %mul3A_12 = arith.muli %add3A, %mul3A_11 : i32
      %add3A_13 = arith.addi %mul3A_12, %scan3A_9 : i32
      %jit3A = arith.constant 4 : i32
      %div3A = arith.divsi %add3A_13, %jit3A : i32
      %sign3A = arith.constant 0 : i32
      %sign3A_14 = arith.cmpi sgt, %add3A_13, %sign3A : i32
      %sign3A_15 = arith.extui %sign3A_14 : i1 to i32
      %sign3A_16 = arith.constant 0 : i32
      %sign3A_17 = arith.cmpi slt, %add3A_13, %sign3A_16 : i32
      %sign3A_18 = arith.extui %sign3A_17 : i1 to i32
      %sign3A_19 = arith.subi %sign3A_15, %sign3A_18 : i32
      %sign3A_20 = arith.constant 0 : i32
      %sign3A_21 = arith.cmpi sgt, %jit3A, %sign3A_20 : i32
      %sign3A_22 = arith.extui %sign3A_21 : i1 to i32
      %sign3A_23 = arith.constant 0 : i32
      %sign3A_24 = arith.cmpi slt, %jit3A, %sign3A_23 : i32
      %sign3A_25 = arith.extui %sign3A_24 : i1 to i32
      %sign3A_26 = arith.subi %sign3A_22, %sign3A_25 : i32
      %ne3A = arith.cmpi ne, %sign3A_19, %sign3A_26 : i32
      %rem3A = arith.remsi %add3A_13, %jit3A : i32
      %ne3A_27 = arith.constant 0 : i32
      %ne3A_28 = arith.cmpi ne, %rem3A, %ne3A_27 : i32
      %and3A = arith.andi %ne3A, %ne3A_28 : i1
      %sub3A = arith.constant 1 : i32
      %sub3A_29 = arith.subi %div3A, %sub3A : i32
      %select_n3A = arith.select %and3A, %sub3A_29, %div3A : i32
      %mul3A_30 = arith.constant 256 : i32
      %mul3A_31 = arith.muli %mul3A_30, %select_n3A : i32
      %jit3A_32 = arith.constant 2 : i32
      %eq3A = arith.constant 0 : i32
      %eq3A_33 = arith.cmpi eq, %jit3A_32, %eq3A : i32
      %jit3A_34 = arith.constant 1 : i32
      %select_n3A_35 = arith.select %eq3A_33, %jit3A_34, %jit3A_32 : i32
      %rem3A_36 = arith.remsi %add3A_13, %select_n3A_35 : i32
      %ne3A_37 = arith.constant 0 : i32
      %ne3A_38 = arith.cmpi ne, %rem3A_36, %ne3A_37 : i32
      %lt3A = arith.constant 0 : i32
      %lt3A_39 = arith.cmpi slt, %rem3A_36, %lt3A : i32
      %lt3A_40 = arith.constant 0 : i32
      %lt3A_41 = arith.cmpi slt, %select_n3A_35, %lt3A_40 : i32
      %ne3A_42 = arith.xori %lt3A_39, %lt3A_41 : i1
      %and3A_43 = arith.andi %ne3A_42, %ne3A_38 : i1
      %add3A_44 = arith.addi %rem3A_36, %select_n3A_35 : i32
      %select_n3A_45 = arith.select %and3A_43, %add3A_44, %rem3A_36 : i32
      %mul3A_46 = arith.constant 128 : i32
      %mul3A_47 = arith.muli %mul3A_46, %select_n3A_45 : i32
      %add3A_48 = arith.addi %mul3A_31, %mul3A_47 : i32
      %jit3A_49 = arith.constant 2 : i32
      %div3A_50 = arith.divsi %add3A_13, %jit3A_49 : i32
      %sign3A_51 = arith.constant 0 : i32
      %sign3A_52 = arith.cmpi sgt, %add3A_13, %sign3A_51 : i32
      %sign3A_53 = arith.extui %sign3A_52 : i1 to i32
      %sign3A_54 = arith.constant 0 : i32
      %sign3A_55 = arith.cmpi slt, %add3A_13, %sign3A_54 : i32
      %sign3A_56 = arith.extui %sign3A_55 : i1 to i32
      %sign3A_57 = arith.subi %sign3A_53, %sign3A_56 : i32
      %sign3A_58 = arith.constant 0 : i32
      %sign3A_59 = arith.cmpi sgt, %jit3A_49, %sign3A_58 : i32
      %sign3A_60 = arith.extui %sign3A_59 : i1 to i32
      %sign3A_61 = arith.constant 0 : i32
      %sign3A_62 = arith.cmpi slt, %jit3A_49, %sign3A_61 : i32
      %sign3A_63 = arith.extui %sign3A_62 : i1 to i32
      %sign3A_64 = arith.subi %sign3A_60, %sign3A_63 : i32
      %ne3A_65 = arith.cmpi ne, %sign3A_57, %sign3A_64 : i32
      %rem3A_66 = arith.remsi %add3A_13, %jit3A_49 : i32
      %ne3A_67 = arith.constant 0 : i32
      %ne3A_68 = arith.cmpi ne, %rem3A_66, %ne3A_67 : i32
      %and3A_69 = arith.andi %ne3A_65, %ne3A_68 : i1
      %sub3A_70 = arith.constant 1 : i32
      %sub3A_71 = arith.subi %div3A_50, %sub3A_70 : i32
      %select_n3A_72 = arith.select %and3A_69, %sub3A_71, %div3A_50 : i32
      %jit3A_73 = arith.constant 2 : i32
      %eq3A_74 = arith.constant 0 : i32
      %eq3A_75 = arith.cmpi eq, %jit3A_73, %eq3A_74 : i32
      %jit3A_76 = arith.constant 1 : i32
      %select_n3A_77 = arith.select %eq3A_75, %jit3A_76, %jit3A_73 : i32
      %rem3A_78 = arith.remsi %select_n3A_72, %select_n3A_77 : i32
      %ne3A_79 = arith.constant 0 : i32
      %ne3A_80 = arith.cmpi ne, %rem3A_78, %ne3A_79 : i32
      %lt3A_81 = arith.constant 0 : i32
      %lt3A_82 = arith.cmpi slt, %rem3A_78, %lt3A_81 : i32
      %lt3A_83 = arith.constant 0 : i32
      %lt3A_84 = arith.cmpi slt, %select_n3A_77, %lt3A_83 : i32
      %ne3A_85 = arith.xori %lt3A_82, %lt3A_84 : i1
      %and3A_86 = arith.andi %ne3A_85, %ne3A_80 : i1
      %add3A_87 = arith.addi %rem3A_78, %select_n3A_77 : i32
      %select_n3A_88 = arith.select %and3A_86, %add3A_87, %rem3A_78 : i32
      %mul3A_89 = arith.constant 64 : i32
      %mul3A_90 = arith.muli %mul3A_89, %select_n3A_88 : i32
      "tpu.region"() ({
        %run_scoped3A = tpu.sem_alloc : memref<!tpu.dma_semaphore, #tpu.memory_space<semaphore_mem>>
        %dma_start3A_169 = tpu.memref_slice %arg5[%add3A_48, %mul3A_90] : memref<65536x128xf32, #tpu.memory_space<hbm>> -> memref<128x64xf32, #tpu.memory_space<hbm>>
        %dma_start3A_170 = tpu.memref_slice %arg5[%add3A_48, %mul3A_90] : memref<65536x128xf32, #tpu.memory_space<hbm>> -> memref<128x64xf32, #tpu.memory_space<hbm>>
        tpu.enqueue_dma source(%dma_start3A_170 : memref<128x64xf32, #tpu.memory_space<hbm>>) target(%arg14 : memref<128x64xf32, #tpu.memory_space<vmem>>) target_semaphore(%run_scoped3A : memref<!tpu.dma_semaphore, #tpu.memory_space<semaphore_mem>>)
        %dma_wait3A_171 = tpu.memref_slice %arg5[%add3A_48, %mul3A_90] : memref<65536x128xf32, #tpu.memory_space<hbm>> -> memref<128x64xf32, #tpu.memory_space<hbm>>
        %dma_wait3A_172 = tpu.memref_slice %arg5[%add3A_48, %mul3A_90] : memref<65536x128xf32, #tpu.memory_space<hbm>> -> memref<128x64xf32, #tpu.memory_space<hbm>>
        tpu.wait_dma2 semaphore(%run_scoped3A : memref<!tpu.dma_semaphore, #tpu.memory_space<semaphore_mem>>) src(%dma_wait3A_172 : memref<128x64xf32, #tpu.memory_space<hbm>>) dst(%arg14 : memref<128x64xf32, #tpu.memory_space<vmem>>)
        tpu.yield
      }) : () -> ()
      %dma_start3A = arith.constant 0 : i32
      %dma_start3A_91 = tpu.memref_slice %arg10[%scan3A_9, %dma_start3A] : memref<32x128xi32, #tpu.memory_space<vmem>> -> memref<1x128xi32, #tpu.memory_space<vmem>>
      %dma_start3A_92 = tpu.memref_squeeze %dma_start3A_91 : memref<1x128xi32, #tpu.memory_space<vmem>> -> memref<128xi32, #tpu.memory_space<vmem>>
      %dma_start3A_93 = arith.constant 0 : i32
      %dma_start3A_94 = arith.constant 0 : i32
      %dma_start3A_95 = tpu.memref_slice %arg2[%dma_start3A_93, %dma_start3A_94] : memref<501760x64xf32, #tpu.memory_space<hbm>> -> memref<501760x64xf32, #tpu.memory_space<hbm>>
      tpu.enqueue_indirect_dma source(%dma_start3A_95 : memref<501760x64xf32, #tpu.memory_space<hbm>>) target(%arg11 : memref<128x64xf32, #tpu.memory_space<vmem>>) offsets(%dma_start3A_92 : memref<128xi32, #tpu.memory_space<vmem>>) semaphore(%arg15 : memref<!tpu.dma_semaphore, #tpu.memory_space<semaphore_mem>>)
      %dma_start3A_96 = arith.constant 0 : i32
      %dma_start3A_97 = tpu.memref_slice %arg10[%scan3A_9, %dma_start3A_96] : memref<32x128xi32, #tpu.memory_space<vmem>> -> memref<1x128xi32, #tpu.memory_space<vmem>>
      %dma_start3A_98 = tpu.memref_squeeze %dma_start3A_97 : memref<1x128xi32, #tpu.memory_space<vmem>> -> memref<128xi32, #tpu.memory_space<vmem>>
      %dma_start3A_99 = arith.constant 0 : i32
      %dma_start3A_100 = arith.constant 0 : i32
      %dma_start3A_101 = tpu.memref_slice %arg3[%dma_start3A_99, %dma_start3A_100] : memref<501760x64xf32, #tpu.memory_space<hbm>> -> memref<501760x64xf32, #tpu.memory_space<hbm>>
      tpu.enqueue_indirect_dma source(%dma_start3A_101 : memref<501760x64xf32, #tpu.memory_space<hbm>>) target(%arg12 : memref<128x64xf32, #tpu.memory_space<vmem>>) offsets(%dma_start3A_98 : memref<128xi32, #tpu.memory_space<vmem>>) semaphore(%arg15 : memref<!tpu.dma_semaphore, #tpu.memory_space<semaphore_mem>>)
      %dma_start3A_102 = arith.constant 0 : i32
      %dma_start3A_103 = tpu.memref_slice %arg10[%scan3A_9, %dma_start3A_102] : memref<32x128xi32, #tpu.memory_space<vmem>> -> memref<1x128xi32, #tpu.memory_space<vmem>>
      %dma_start3A_104 = tpu.memref_squeeze %dma_start3A_103 : memref<1x128xi32, #tpu.memory_space<vmem>> -> memref<128xi32, #tpu.memory_space<vmem>>
      %dma_start3A_105 = arith.constant 0 : i32
      %dma_start3A_106 = arith.constant 0 : i32
      %dma_start3A_107 = tpu.memref_slice %arg4[%dma_start3A_105, %dma_start3A_106] : memref<501760x64xf32, #tpu.memory_space<hbm>> -> memref<501760x64xf32, #tpu.memory_space<hbm>>
      tpu.enqueue_indirect_dma source(%dma_start3A_107 : memref<501760x64xf32, #tpu.memory_space<hbm>>) target(%arg13 : memref<128x64xf32, #tpu.memory_space<vmem>>) offsets(%dma_start3A_104 : memref<128xi32, #tpu.memory_space<vmem>>) semaphore(%arg15 : memref<!tpu.dma_semaphore, #tpu.memory_space<semaphore_mem>>)
      %dma_wait3A = arith.constant 0 : i32
      %dma_wait3A_108 = tpu.memref_slice %arg10[%scan3A_9, %dma_wait3A] : memref<32x128xi32, #tpu.memory_space<vmem>> -> memref<1x128xi32, #tpu.memory_space<vmem>>
      %dma_wait3A_109 = tpu.memref_squeeze %dma_wait3A_108 : memref<1x128xi32, #tpu.memory_space<vmem>> -> memref<128xi32, #tpu.memory_space<vmem>>
      %dma_wait3A_110 = arith.constant 0 : i32
      %dma_wait3A_111 = arith.constant 0 : i32
      %dma_wait3A_112 = tpu.memref_slice %arg2[%dma_wait3A_110, %dma_wait3A_111] : memref<501760x64xf32, #tpu.memory_space<hbm>> -> memref<501760x64xf32, #tpu.memory_space<hbm>>
      tpu.wait_indirect_dma semaphore(%arg15 : memref<!tpu.dma_semaphore, #tpu.memory_space<semaphore_mem>>) src(%dma_wait3A_112 : memref<501760x64xf32, #tpu.memory_space<hbm>>) dst(%arg11 : memref<128x64xf32, #tpu.memory_space<vmem>>)
      %dma_wait3A_113 = arith.constant 0 : i32
      %dma_wait3A_114 = tpu.memref_slice %arg10[%scan3A_9, %dma_wait3A_113] : memref<32x128xi32, #tpu.memory_space<vmem>> -> memref<1x128xi32, #tpu.memory_space<vmem>>
      %dma_wait3A_115 = tpu.memref_squeeze %dma_wait3A_114 : memref<1x128xi32, #tpu.memory_space<vmem>> -> memref<128xi32, #tpu.memory_space<vmem>>
      %dma_wait3A_116 = arith.constant 0 : i32
      %dma_wait3A_117 = arith.constant 0 : i32
      %dma_wait3A_118 = tpu.memref_slice %arg3[%dma_wait3A_116, %dma_wait3A_117] : memref<501760x64xf32, #tpu.memory_space<hbm>> -> memref<501760x64xf32, #tpu.memory_space<hbm>>
      tpu.wait_indirect_dma semaphore(%arg15 : memref<!tpu.dma_semaphore, #tpu.memory_space<semaphore_mem>>) src(%dma_wait3A_118 : memref<501760x64xf32, #tpu.memory_space<hbm>>) dst(%arg12 : memref<128x64xf32, #tpu.memory_space<vmem>>)
      %dma_wait3A_119 = arith.constant 0 : i32
      %dma_wait3A_120 = tpu.memref_slice %arg10[%scan3A_9, %dma_wait3A_119] : memref<32x128xi32, #tpu.memory_space<vmem>> -> memref<1x128xi32, #tpu.memory_space<vmem>>
      %dma_wait3A_121 = tpu.memref_squeeze %dma_wait3A_120 : memref<1x128xi32, #tpu.memory_space<vmem>> -> memref<128xi32, #tpu.memory_space<vmem>>
      %dma_wait3A_122 = arith.constant 0 : i32
      %dma_wait3A_123 = arith.constant 0 : i32
      %dma_wait3A_124 = tpu.memref_slice %arg4[%dma_wait3A_122, %dma_wait3A_123] : memref<501760x64xf32, #tpu.memory_space<hbm>> -> memref<501760x64xf32, #tpu.memory_space<hbm>>
      tpu.wait_indirect_dma semaphore(%arg15 : memref<!tpu.dma_semaphore, #tpu.memory_space<semaphore_mem>>) src(%dma_wait3A_124 : memref<501760x64xf32, #tpu.memory_space<hbm>>) dst(%arg13 : memref<128x64xf32, #tpu.memory_space<vmem>>)
      %scan3A_125 = arith.constant 0 : i32
      %scan3A_126 = arith.constant 0 : i32
      %scan3A_127 = arith.constant 128 : i32
      %scan3A_128 = arith.addi %scan3A_126, %scan3A_127 : i32
      %scan3A_129 = arith.constant 1 : i32
      %scan3A_130 = scf.for %scan3A_169 = %scan3A_126 to %scan3A_128 step %scan3A_129 iter_args(%scan3A_170 = %scan3A_125) -> (i32)  : i32 {
        %get3A = arith.index_cast %scan3A_169 : i32 to index
        %get3A_171 = arith.constant 0 : index
        %get3A_172 = tpu.vector_load %arg11[%get3A, %get3A_171] {strides = array<i32>} : memref<128x64xf32, #tpu.memory_space<vmem>>, vector<1x16xf32>,
        %get3A_173 = vector.shape_cast %get3A_172 : vector<1x16xf32> to vector<16xf32>
        %get3A_174 = arith.index_cast %scan3A_169 : i32 to index
        %get3A_175 = arith.constant 0 : index
        %get3A_176 = tpu.vector_load %arg12[%get3A_174, %get3A_175] {strides = array<i32>} : memref<128x64xf32, #tpu.memory_space<vmem>>, vector<1x16xf32>,
        %get3A_177 = vector.shape_cast %get3A_176 : vector<1x16xf32> to vector<16xf32>
        %get3A_178 = arith.index_cast %scan3A_169 : i32 to index
        %get3A_179 = arith.constant 0 : index
        %get3A_180 = tpu.vector_load %arg13[%get3A_178, %get3A_179] {strides = array<i32>} : memref<128x64xf32, #tpu.memory_space<vmem>>, vector<1x16xf32>,
        %get3A_181 = vector.shape_cast %get3A_180 : vector<1x16xf32> to vector<16xf32>
        %get3A_182 = arith.index_cast %scan3A_169 : i32 to index
        %get3A_183 = arith.constant 0 : index
        %get3A_184 = tpu.vector_load %arg14[%get3A_182, %get3A_183] {strides = array<i32>} : memref<128x64xf32, #tpu.memory_space<vmem>>, vector<1x16xf32>,
        %get3A_185 = vector.shape_cast %get3A_184 : vector<1x16xf32> to vector<16xf32>
        %mul3A_186 = arith.constant 0.899999976 : f32
        %mul3A_187 = vector.broadcast %mul3A_186 : f32 to vector<16xf32>
        %mul3A_188 = arith.mulf %get3A_177, %mul3A_187 : vector<16xf32>
        %mul3A_189 = arith.constant 1.000000e-01 : f32
        %mul3A_190 = vector.broadcast %mul3A_189 : f32 to vector<16xf32>
        %mul3A_191 = arith.mulf %get3A_185, %mul3A_190 : vector<16xf32>
        %add3A_192 = arith.addf %mul3A_188, %mul3A_191 : vector<16xf32>
        %mul3A_193 = arith.constant 9.990000e-01 : f32
        %mul3A_194 = vector.broadcast %mul3A_193 : f32 to vector<16xf32>
        %mul3A_195 = arith.mulf %get3A_181, %mul3A_194 : vector<16xf32>
        %mul3A_196 = arith.mulf %get3A_185, %get3A_185 : vector<16xf32>
        %mul3A_197 = arith.constant 1.000000e-03 : f32
        %mul3A_198 = vector.broadcast %mul3A_197 : f32 to vector<16xf32>
        %mul3A_199 = arith.mulf %mul3A_196, %mul3A_198 : vector<16xf32>
        %add3A_200 = arith.addf %mul3A_195, %mul3A_199 : vector<16xf32>
        %bitcast_convert_type3A = tpu.bitcast %add3A_200 : vector<16xf32> -> vector<16xi32>
        %shift_right_arithmetic3A = arith.constant 1 : i32
        %shift_right_arithmetic3A_201 = vector.broadcast %shift_right_arithmetic3A : i32 to vector<16xi32>
        %shift_right_arithmetic3A_202 = arith.shrsi %bitcast_convert_type3A, %shift_right_arithmetic3A_201 : vector<16xi32>
        %sub3A_203 = arith.constant 1597463007 : i32
        %sub3A_204 = vector.broadcast %sub3A_203 : i32 to vector<16xi32>
        %sub3A_205 = arith.subi %sub3A_204, %shift_right_arithmetic3A_202 : vector<16xi32>
        %bitcast_convert_type3A_206 = tpu.bitcast %sub3A_205 : vector<16xi32> -> vector<16xf32>
        %mul3A_207 = arith.constant 5.000000e-01 : f32
        %mul3A_208 = vector.broadcast %mul3A_207 : f32 to vector<16xf32>
        %mul3A_209 = arith.mulf %add3A_200, %mul3A_208 : vector<16xf32>
        %mul3A_210 = arith.mulf %mul3A_209, %bitcast_convert_type3A_206 : vector<16xf32>
        %mul3A_211 = arith.mulf %mul3A_210, %bitcast_convert_type3A_206 : vector<16xf32>
        %sub3A_212 = arith.constant 1.500000e+00 : f32
        %sub3A_213 = vector.broadcast %sub3A_212 : f32 to vector<16xf32>
        %sub3A_214 = arith.subf %sub3A_213, %mul3A_211 : vector<16xf32>
        %mul3A_215 = arith.mulf %bitcast_convert_type3A_206, %sub3A_214 : vector<16xf32>
        %mul3A_216 = arith.mulf %mul3A_209, %mul3A_215 : vector<16xf32>
        %mul3A_217 = arith.mulf %mul3A_216, %mul3A_215 : vector<16xf32>
        %sub3A_218 = arith.constant 1.500000e+00 : f32
        %sub3A_219 = vector.broadcast %sub3A_218 : f32 to vector<16xf32>
        %sub3A_220 = arith.subf %sub3A_219, %mul3A_217 : vector<16xf32>
        %mul3A_221 = arith.mulf %mul3A_215, %sub3A_220 : vector<16xf32>
        %mul3A_222 = arith.mulf %mul3A_209, %mul3A_221 : vector<16xf32>
        %mul3A_223 = arith.mulf %mul3A_222, %mul3A_221 : vector<16xf32>
        %sub3A_224 = arith.constant 1.500000e+00 : f32
        %sub3A_225 = vector.broadcast %sub3A_224 : f32 to vector<16xf32>
        %sub3A_226 = arith.subf %sub3A_225, %mul3A_223 : vector<16xf32>
        %mul3A_227 = arith.mulf %mul3A_221, %sub3A_226 : vector<16xf32>
        %mul3A_228 = arith.mulf %add3A_200, %mul3A_227 : vector<16xf32>
        %mul3A_229 = arith.constant 31.622776 : f32
        %mul3A_230 = vector.broadcast %mul3A_229 : f32 to vector<16xf32>
        %mul3A_231 = arith.mulf %mul3A_228, %mul3A_230 : vector<16xf32>
        %add3A_232 = arith.constant 1.000000e-15 : f32
        %add3A_233 = vector.broadcast %add3A_232 : f32 to vector<16xf32>
        %add3A_234 = arith.addf %mul3A_231, %add3A_233 : vector<16xf32>
        %div3A_235 = arith.divf %add3A_192, %add3A_234 : vector<16xf32>
        %mul3A_236 = arith.constant 0.00999999977 : f32
        %mul3A_237 = vector.broadcast %mul3A_236 : f32 to vector<16xf32>
        %mul3A_238 = arith.mulf %mul3A_237, %div3A_235 : vector<16xf32>
        %sub3A_239 = arith.subf %get3A_173, %mul3A_238 : vector<16xf32>
        %swap3A = arith.index_cast %scan3A_169 : i32 to index
        %swap3A_240 = arith.constant 0 : index
        %swap3A_241 = tpu.vector_load %arg11[%swap3A, %swap3A_240] {strides = array<i32>} : memref<128x64xf32, #tpu.memory_space<vmem>>, vector<1x16xf32>,
        %swap3A_242 = vector.shape_cast %swap3A_241 : vector<1x16xf32> to vector<16xf32>
        %swap3A_243 = vector.shape_cast %sub3A_239 : vector<16xf32> to vector<1x16xf32>
        tpu.vector_store %arg11[%swap3A, %swap3A_240], %swap3A_243 {strides = array<i32>} : memref<128x64xf32, #tpu.memory_space<vmem>>, vector<1x16xf32>,
        %swap3A_244 = arith.index_cast %scan3A_169 : i32 to index
        %swap3A_245 = arith.constant 0 : index
        %swap3A_246 = tpu.vector_load %arg12[%swap3A_244, %swap3A_245] {strides = array<i32>} : memref<128x64xf32, #tpu.memory_space<vmem>>, vector<1x16xf32>,
        %swap3A_247 = vector.shape_cast %swap3A_246 : vector<1x16xf32> to vector<16xf32>
        %swap3A_248 = vector.shape_cast %add3A_192 : vector<16xf32> to vector<1x16xf32>
        tpu.vector_store %arg12[%swap3A_244, %swap3A_245], %swap3A_248 {strides = array<i32>} : memref<128x64xf32, #tpu.memory_space<vmem>>, vector<1x16xf32>,
        %swap3A_249 = arith.index_cast %scan3A_169 : i32 to index
        %swap3A_250 = arith.constant 0 : index
        %swap3A_251 = tpu.vector_load %arg13[%swap3A_249, %swap3A_250] {strides = array<i32>} : memref<128x64xf32, #tpu.memory_space<vmem>>, vector<1x16xf32>,
        %swap3A_252 = vector.shape_cast %swap3A_251 : vector<1x16xf32> to vector<16xf32>
        %swap3A_253 = vector.shape_cast %add3A_200 : vector<16xf32> to vector<1x16xf32>
        tpu.vector_store %arg13[%swap3A_249, %swap3A_250], %swap3A_253 {strides = array<i32>} : memref<128x64xf32, #tpu.memory_space<vmem>>, vector<1x16xf32>,
        %get3A_254 = arith.index_cast %scan3A_169 : i32 to index
        %get3A_255 = arith.constant 16 : index
        %get3A_256 = tpu.vector_load %arg11[%get3A_254, %get3A_255] {strides = array<i32>} : memref<128x64xf32, #tpu.memory_space<vmem>>, vector<1x16xf32>,
        %get3A_257 = vector.shape_cast %get3A_256 : vector<1x16xf32> to vector<16xf32>
        %get3A_258 = arith.index_cast %scan3A_169 : i32 to index
        %get3A_259 = arith.constant 16 : index
        %get3A_260 = tpu.vector_load %arg12[%get3A_258, %get3A_259] {strides = array<i32>} : memref<128x64xf32, #tpu.memory_space<vmem>>, vector<1x16xf32>,
        %get3A_261 = vector.shape_cast %get3A_260 : vector<1x16xf32> to vector<16xf32>
        %get3A_262 = arith.index_cast %scan3A_169 : i32 to index
        %get3A_263 = arith.constant 16 : index
        %get3A_264 = tpu.vector_load %arg13[%get3A_262, %get3A_263] {strides = array<i32>} : memref<128x64xf32, #tpu.memory_space<vmem>>, vector<1x16xf32>,
        %get3A_265 = vector.shape_cast %get3A_264 : vector<1x16xf32> to vector<16xf32>
        %get3A_266 = arith.index_cast %scan3A_169 : i32 to index
        %get3A_267 = arith.constant 16 : index
        %get3A_268 = tpu.vector_load %arg14[%get3A_266, %get3A_267] {strides = array<i32>} : memref<128x64xf32, #tpu.memory_space<vmem>>, vector<1x16xf32>,
        %get3A_269 = vector.shape_cast %get3A_268 : vector<1x16xf32> to vector<16xf32>
        %mul3A_270 = arith.constant 0.899999976 : f32
        %mul3A_271 = vector.broadcast %mul3A_270 : f32 to vector<16xf32>
        %mul3A_272 = arith.mulf %get3A_261, %mul3A_271 : vector<16xf32>
        %mul3A_273 = arith.constant 1.000000e-01 : f32
        %mul3A_274 = vector.broadcast %mul3A_273 : f32 to vector<16xf32>
        %mul3A_275 = arith.mulf %get3A_269, %mul3A_274 : vector<16xf32>
        %add3A_276 = arith.addf %mul3A_272, %mul3A_275 : vector<16xf32>
        %mul3A_277 = arith.constant 9.990000e-01 : f32
        %mul3A_278 = vector.broadcast %mul3A_277 : f32 to vector<16xf32>
        %mul3A_279 = arith.mulf %get3A_265, %mul3A_278 : vector<16xf32>
        %mul3A_280 = arith.mulf %get3A_269, %get3A_269 : vector<16xf32>
        %mul3A_281 = arith.constant 1.000000e-03 : f32
        %mul3A_282 = vector.broadcast %mul3A_281 : f32 to vector<16xf32>
        %mul3A_283 = arith.mulf %mul3A_280, %mul3A_282 : vector<16xf32>
        %add3A_284 = arith.addf %mul3A_279, %mul3A_283 : vector<16xf32>
        %bitcast_convert_type3A_285 = tpu.bitcast %add3A_284 : vector<16xf32> -> vector<16xi32>
        %shift_right_arithmetic3A_286 = arith.constant 1 : i32
        %shift_right_arithmetic3A_287 = vector.broadcast %shift_right_arithmetic3A_286 : i32 to vector<16xi32>
        %shift_right_arithmetic3A_288 = arith.shrsi %bitcast_convert_type3A_285, %shift_right_arithmetic3A_287 : vector<16xi32>
        %sub3A_289 = arith.constant 1597463007 : i32
        %sub3A_290 = vector.broadcast %sub3A_289 : i32 to vector<16xi32>
        %sub3A_291 = arith.subi %sub3A_290, %shift_right_arithmetic3A_288 : vector<16xi32>
        %bitcast_convert_type3A_292 = tpu.bitcast %sub3A_291 : vector<16xi32> -> vector<16xf32>
        %mul3A_293 = arith.constant 5.000000e-01 : f32
        %mul3A_294 = vector.broadcast %mul3A_293 : f32 to vector<16xf32>
        %mul3A_295 = arith.mulf %add3A_284, %mul3A_294 : vector<16xf32>
        %mul3A_296 = arith.mulf %mul3A_295, %bitcast_convert_type3A_292 : vector<16xf32>
        %mul3A_297 = arith.mulf %mul3A_296, %bitcast_convert_type3A_292 : vector<16xf32>
        %sub3A_298 = arith.constant 1.500000e+00 : f32
        %sub3A_299 = vector.broadcast %sub3A_298 : f32 to vector<16xf32>
        %sub3A_300 = arith.subf %sub3A_299, %mul3A_297 : vector<16xf32>
        %mul3A_301 = arith.mulf %bitcast_convert_type3A_292, %sub3A_300 : vector<16xf32>
        %mul3A_302 = arith.mulf %mul3A_295, %mul3A_301 : vector<16xf32>
        %mul3A_303 = arith.mulf %mul3A_302, %mul3A_301 : vector<16xf32>
        %sub3A_304 = arith.constant 1.500000e+00 : f32
        %sub3A_305 = vector.broadcast %sub3A_304 : f32 to vector<16xf32>
        %sub3A_306 = arith.subf %sub3A_305, %mul3A_303 : vector<16xf32>
        %mul3A_307 = arith.mulf %mul3A_301, %sub3A_306 : vector<16xf32>
        %mul3A_308 = arith.mulf %mul3A_295, %mul3A_307 : vector<16xf32>
        %mul3A_309 = arith.mulf %mul3A_308, %mul3A_307 : vector<16xf32>
        %sub3A_310 = arith.constant 1.500000e+00 : f32
        %sub3A_311 = vector.broadcast %sub3A_310 : f32 to vector<16xf32>
        %sub3A_312 = arith.subf %sub3A_311, %mul3A_309 : vector<16xf32>
        %mul3A_313 = arith.mulf %mul3A_307, %sub3A_312 : vector<16xf32>
        %mul3A_314 = arith.mulf %add3A_284, %mul3A_313 : vector<16xf32>
        %mul3A_315 = arith.constant 31.622776 : f32
        %mul3A_316 = vector.broadcast %mul3A_315 : f32 to vector<16xf32>
        %mul3A_317 = arith.mulf %mul3A_314, %mul3A_316 : vector<16xf32>
        %add3A_318 = arith.constant 1.000000e-15 : f32
        %add3A_319 = vector.broadcast %add3A_318 : f32 to vector<16xf32>
        %add3A_320 = arith.addf %mul3A_317, %add3A_319 : vector<16xf32>
        %div3A_321 = arith.divf %add3A_276, %add3A_320 : vector<16xf32>
        %mul3A_322 = arith.constant 0.00999999977 : f32
        %mul3A_323 = vector.broadcast %mul3A_322 : f32 to vector<16xf32>
        %mul3A_324 = arith.mulf %mul3A_323, %div3A_321 : vector<16xf32>
        %sub3A_325 = arith.subf %get3A_257, %mul3A_324 : vector<16xf32>
        %swap3A_326 = arith.index_cast %scan3A_169 : i32 to index
        %swap3A_327 = arith.constant 16 : index
        %swap3A_328 = tpu.vector_load %arg11[%swap3A_326, %swap3A_327] {strides = array<i32>} : memref<128x64xf32, #tpu.memory_space<vmem>>, vector<1x16xf32>,
        %swap3A_329 = vector.shape_cast %swap3A_328 : vector<1x16xf32> to vector<16xf32>
        %swap3A_330 = vector.shape_cast %sub3A_325 : vector<16xf32> to vector<1x16xf32>
        tpu.vector_store %arg11[%swap3A_326, %swap3A_327], %swap3A_330 {strides = array<i32>} : memref<128x64xf32, #tpu.memory_space<vmem>>, vector<1x16xf32>,
        %swap3A_331 = arith.index_cast %scan3A_169 : i32 to index
        %swap3A_332 = arith.constant 16 : index
        %swap3A_333 = tpu.vector_load %arg12[%swap3A_331, %swap3A_332] {strides = array<i32>} : memref<128x64xf32, #tpu.memory_space<vmem>>, vector<1x16xf32>,
        %swap3A_334 = vector.shape_cast %swap3A_333 : vector<1x16xf32> to vector<16xf32>
        %swap3A_335 = vector.shape_cast %add3A_276 : vector<16xf32> to vector<1x16xf32>
        tpu.vector_store %arg12[%swap3A_331, %swap3A_332], %swap3A_335 {strides = array<i32>} : memref<128x64xf32, #tpu.memory_space<vmem>>, vector<1x16xf32>,
        %swap3A_336 = arith.index_cast %scan3A_169 : i32 to index
        %swap3A_337 = arith.constant 16 : index
        %swap3A_338 = tpu.vector_load %arg13[%swap3A_336, %swap3A_337] {strides = array<i32>} : memref<128x64xf32, #tpu.memory_space<vmem>>, vector<1x16xf32>,
        %swap3A_339 = vector.shape_cast %swap3A_338 : vector<1x16xf32> to vector<16xf32>
        %swap3A_340 = vector.shape_cast %add3A_284 : vector<16xf32> to vector<1x16xf32>
        tpu.vector_store %arg13[%swap3A_336, %swap3A_337], %swap3A_340 {strides = array<i32>} : memref<128x64xf32, #tpu.memory_space<vmem>>, vector<1x16xf32>,
        %get3A_341 = arith.index_cast %scan3A_169 : i32 to index
        %get3A_342 = arith.constant 32 : index
        %get3A_343 = tpu.vector_load %arg11[%get3A_341, %get3A_342] {strides = array<i32>} : memref<128x64xf32, #tpu.memory_space<vmem>>, vector<1x16xf32>,
        %get3A_344 = vector.shape_cast %get3A_343 : vector<1x16xf32> to vector<16xf32>
        %get3A_345 = arith.index_cast %scan3A_169 : i32 to index
        %get3A_346 = arith.constant 32 : index
        %get3A_347 = tpu.vector_load %arg12[%get3A_345, %get3A_346] {strides = array<i32>} : memref<128x64xf32, #tpu.memory_space<vmem>>, vector<1x16xf32>,
        %get3A_348 = vector.shape_cast %get3A_347 : vector<1x16xf32> to vector<16xf32>
        %get3A_349 = arith.index_cast %scan3A_169 : i32 to index
        %get3A_350 = arith.constant 32 : index
        %get3A_351 = tpu.vector_load %arg13[%get3A_349, %get3A_350] {strides = array<i32>} : memref<128x64xf32, #tpu.memory_space<vmem>>, vector<1x16xf32>,
        %get3A_352 = vector.shape_cast %get3A_351 : vector<1x16xf32> to vector<16xf32>
        %get3A_353 = arith.index_cast %scan3A_169 : i32 to index
        %get3A_354 = arith.constant 32 : index
        %get3A_355 = tpu.vector_load %arg14[%get3A_353, %get3A_354] {strides = array<i32>} : memref<128x64xf32, #tpu.memory_space<vmem>>, vector<1x16xf32>,
        %get3A_356 = vector.shape_cast %get3A_355 : vector<1x16xf32> to vector<16xf32>
        %mul3A_357 = arith.constant 0.899999976 : f32
        %mul3A_358 = vector.broadcast %mul3A_357 : f32 to vector<16xf32>
        %mul3A_359 = arith.mulf %get3A_348, %mul3A_358 : vector<16xf32>
        %mul3A_360 = arith.constant 1.000000e-01 : f32
        %mul3A_361 = vector.broadcast %mul3A_360 : f32 to vector<16xf32>
        %mul3A_362 = arith.mulf %get3A_356, %mul3A_361 : vector<16xf32>
        %add3A_363 = arith.addf %mul3A_359, %mul3A_362 : vector<16xf32>
        %mul3A_364 = arith.constant 9.990000e-01 : f32
        %mul3A_365 = vector.broadcast %mul3A_364 : f32 to vector<16xf32>
        %mul3A_366 = arith.mulf %get3A_352, %mul3A_365 : vector<16xf32>
        %mul3A_367 = arith.mulf %get3A_356, %get3A_356 : vector<16xf32>
        %mul3A_368 = arith.constant 1.000000e-03 : f32
        %mul3A_369 = vector.broadcast %mul3A_368 : f32 to vector<16xf32>
        %mul3A_370 = arith.mulf %mul3A_367, %mul3A_369 : vector<16xf32>
        %add3A_371 = arith.addf %mul3A_366, %mul3A_370 : vector<16xf32>
        %bitcast_convert_type3A_372 = tpu.bitcast %add3A_371 : vector<16xf32> -> vector<16xi32>
        %shift_right_arithmetic3A_373 = arith.constant 1 : i32
        %shift_right_arithmetic3A_374 = vector.broadcast %shift_right_arithmetic3A_373 : i32 to vector<16xi32>
        %shift_right_arithmetic3A_375 = arith.shrsi %bitcast_convert_type3A_372, %shift_right_arithmetic3A_374 : vector<16xi32>
        %sub3A_376 = arith.constant 1597463007 : i32
        %sub3A_377 = vector.broadcast %sub3A_376 : i32 to vector<16xi32>
        %sub3A_378 = arith.subi %sub3A_377, %shift_right_arithmetic3A_375 : vector<16xi32>
        %bitcast_convert_type3A_379 = tpu.bitcast %sub3A_378 : vector<16xi32> -> vector<16xf32>
        %mul3A_380 = arith.constant 5.000000e-01 : f32
        %mul3A_381 = vector.broadcast %mul3A_380 : f32 to vector<16xf32>
        %mul3A_382 = arith.mulf %add3A_371, %mul3A_381 : vector<16xf32>
        %mul3A_383 = arith.mulf %mul3A_382, %bitcast_convert_type3A_379 : vector<16xf32>
        %mul3A_384 = arith.mulf %mul3A_383, %bitcast_convert_type3A_379 : vector<16xf32>
        %sub3A_385 = arith.constant 1.500000e+00 : f32
        %sub3A_386 = vector.broadcast %sub3A_385 : f32 to vector<16xf32>
        %sub3A_387 = arith.subf %sub3A_386, %mul3A_384 : vector<16xf32>
        %mul3A_388 = arith.mulf %bitcast_convert_type3A_379, %sub3A_387 : vector<16xf32>
        %mul3A_389 = arith.mulf %mul3A_382, %mul3A_388 : vector<16xf32>
        %mul3A_390 = arith.mulf %mul3A_389, %mul3A_388 : vector<16xf32>
        %sub3A_391 = arith.constant 1.500000e+00 : f32
        %sub3A_392 = vector.broadcast %sub3A_391 : f32 to vector<16xf32>
        %sub3A_393 = arith.subf %sub3A_392, %mul3A_390 : vector<16xf32>
        %mul3A_394 = arith.mulf %mul3A_388, %sub3A_393 : vector<16xf32>
        %mul3A_395 = arith.mulf %mul3A_382, %mul3A_394 : vector<16xf32>
        %mul3A_396 = arith.mulf %mul3A_395, %mul3A_394 : vector<16xf32>
        %sub3A_397 = arith.constant 1.500000e+00 : f32
        %sub3A_398 = vector.broadcast %sub3A_397 : f32 to vector<16xf32>
        %sub3A_399 = arith.subf %sub3A_398, %mul3A_396 : vector<16xf32>
        %mul3A_400 = arith.mulf %mul3A_394, %sub3A_399 : vector<16xf32>
        %mul3A_401 = arith.mulf %add3A_371, %mul3A_400 : vector<16xf32>
        %mul3A_402 = arith.constant 31.622776 : f32
        %mul3A_403 = vector.broadcast %mul3A_402 : f32 to vector<16xf32>
        %mul3A_404 = arith.mulf %mul3A_401, %mul3A_403 : vector<16xf32>
        %add3A_405 = arith.constant 1.000000e-15 : f32
        %add3A_406 = vector.broadcast %add3A_405 : f32 to vector<16xf32>
        %add3A_407 = arith.addf %mul3A_404, %add3A_406 : vector<16xf32>
        %div3A_408 = arith.divf %add3A_363, %add3A_407 : vector<16xf32>
        %mul3A_409 = arith.constant 0.00999999977 : f32
        %mul3A_410 = vector.broadcast %mul3A_409 : f32 to vector<16xf32>
        %mul3A_411 = arith.mulf %mul3A_410, %div3A_408 : vector<16xf32>
        %sub3A_412 = arith.subf %get3A_344, %mul3A_411 : vector<16xf32>
        %swap3A_413 = arith.index_cast %scan3A_169 : i32 to index
        %swap3A_414 = arith.constant 32 : index
        %swap3A_415 = tpu.vector_load %arg11[%swap3A_413, %swap3A_414] {strides = array<i32>} : memref<128x64xf32, #tpu.memory_space<vmem>>, vector<1x16xf32>,
        %swap3A_416 = vector.shape_cast %swap3A_415 : vector<1x16xf32> to vector<16xf32>
        %swap3A_417 = vector.shape_cast %sub3A_412 : vector<16xf32> to vector<1x16xf32>
        tpu.vector_store %arg11[%swap3A_413, %swap3A_414], %swap3A_417 {strides = array<i32>} : memref<128x64xf32, #tpu.memory_space<vmem>>, vector<1x16xf32>,
        %swap3A_418 = arith.index_cast %scan3A_169 : i32 to index
        %swap3A_419 = arith.constant 32 : index
        %swap3A_420 = tpu.vector_load %arg12[%swap3A_418, %swap3A_419] {strides = array<i32>} : memref<128x64xf32, #tpu.memory_space<vmem>>, vector<1x16xf32>,
        %swap3A_421 = vector.shape_cast %swap3A_420 : vector<1x16xf32> to vector<16xf32>
        %swap3A_422 = vector.shape_cast %add3A_363 : vector<16xf32> to vector<1x16xf32>
        tpu.vector_store %arg12[%swap3A_418, %swap3A_419], %swap3A_422 {strides = array<i32>} : memref<128x64xf32, #tpu.memory_space<vmem>>, vector<1x16xf32>,
        %swap3A_423 = arith.index_cast %scan3A_169 : i32 to index
        %swap3A_424 = arith.constant 32 : index
        %swap3A_425 = tpu.vector_load %arg13[%swap3A_423, %swap3A_424] {strides = array<i32>} : memref<128x64xf32, #tpu.memory_space<vmem>>, vector<1x16xf32>,
        %swap3A_426 = vector.shape_cast %swap3A_425 : vector<1x16xf32> to vector<16xf32>
        %swap3A_427 = vector.shape_cast %add3A_371 : vector<16xf32> to vector<1x16xf32>
        tpu.vector_store %arg13[%swap3A_423, %swap3A_424], %swap3A_427 {strides = array<i32>} : memref<128x64xf32, #tpu.memory_space<vmem>>, vector<1x16xf32>,
        %get3A_428 = arith.index_cast %scan3A_169 : i32 to index
        %get3A_429 = arith.constant 48 : index
        %get3A_430 = tpu.vector_load %arg11[%get3A_428, %get3A_429] {strides = array<i32>} : memref<128x64xf32, #tpu.memory_space<vmem>>, vector<1x16xf32>,
        %get3A_431 = vector.shape_cast %get3A_430 : vector<1x16xf32> to vector<16xf32>
        %get3A_432 = arith.index_cast %scan3A_169 : i32 to index
        %get3A_433 = arith.constant 48 : index
        %get3A_434 = tpu.vector_load %arg12[%get3A_432, %get3A_433] {strides = array<i32>} : memref<128x64xf32, #tpu.memory_space<vmem>>, vector<1x16xf32>,
        %get3A_435 = vector.shape_cast %get3A_434 : vector<1x16xf32> to vector<16xf32>
        %get3A_436 = arith.index_cast %scan3A_169 : i32 to index
        %get3A_437 = arith.constant 48 : index
        %get3A_438 = tpu.vector_load %arg13[%get3A_436, %get3A_437] {strides = array<i32>} : memref<128x64xf32, #tpu.memory_space<vmem>>, vector<1x16xf32>,
        %get3A_439 = vector.shape_cast %get3A_438 : vector<1x16xf32> to vector<16xf32>
        %get3A_440 = arith.index_cast %scan3A_169 : i32 to index
        %get3A_441 = arith.constant 48 : index
        %get3A_442 = tpu.vector_load %arg14[%get3A_440, %get3A_441] {strides = array<i32>} : memref<128x64xf32, #tpu.memory_space<vmem>>, vector<1x16xf32>,
        %get3A_443 = vector.shape_cast %get3A_442 : vector<1x16xf32> to vector<16xf32>
        %mul3A_444 = arith.constant 0.899999976 : f32
        %mul3A_445 = vector.broadcast %mul3A_444 : f32 to vector<16xf32>
        %mul3A_446 = arith.mulf %get3A_435, %mul3A_445 : vector<16xf32>
        %mul3A_447 = arith.constant 1.000000e-01 : f32
        %mul3A_448 = vector.broadcast %mul3A_447 : f32 to vector<16xf32>
        %mul3A_449 = arith.mulf %get3A_443, %mul3A_448 : vector<16xf32>
        %add3A_450 = arith.addf %mul3A_446, %mul3A_449 : vector<16xf32>
        %mul3A_451 = arith.constant 9.990000e-01 : f32
        %mul3A_452 = vector.broadcast %mul3A_451 : f32 to vector<16xf32>
        %mul3A_453 = arith.mulf %get3A_439, %mul3A_452 : vector<16xf32>
        %mul3A_454 = arith.mulf %get3A_443, %get3A_443 : vector<16xf32>
        %mul3A_455 = arith.constant 1.000000e-03 : f32
        %mul3A_456 = vector.broadcast %mul3A_455 : f32 to vector<16xf32>
        %mul3A_457 = arith.mulf %mul3A_454, %mul3A_456 : vector<16xf32>
        %add3A_458 = arith.addf %mul3A_453, %mul3A_457 : vector<16xf32>
        %bitcast_convert_type3A_459 = tpu.bitcast %add3A_458 : vector<16xf32> -> vector<16xi32>
        %shift_right_arithmetic3A_460 = arith.constant 1 : i32
        %shift_right_arithmetic3A_461 = vector.broadcast %shift_right_arithmetic3A_460 : i32 to vector<16xi32>
        %shift_right_arithmetic3A_462 = arith.shrsi %bitcast_convert_type3A_459, %shift_right_arithmetic3A_461 : vector<16xi32>
        %sub3A_463 = arith.constant 1597463007 : i32
        %sub3A_464 = vector.broadcast %sub3A_463 : i32 to vector<16xi32>
        %sub3A_465 = arith.subi %sub3A_464, %shift_right_arithmetic3A_462 : vector<16xi32>
        %bitcast_convert_type3A_466 = tpu.bitcast %sub3A_465 : vector<16xi32> -> vector<16xf32>
        %mul3A_467 = arith.constant 5.000000e-01 : f32
        %mul3A_468 = vector.broadcast %mul3A_467 : f32 to vector<16xf32>
        %mul3A_469 = arith.mulf %add3A_458, %mul3A_468 : vector<16xf32>
        %mul3A_470 = arith.mulf %mul3A_469, %bitcast_convert_type3A_466 : vector<16xf32>
        %mul3A_471 = arith.mulf %mul3A_470, %bitcast_convert_type3A_466 : vector<16xf32>
        %sub3A_472 = arith.constant 1.500000e+00 : f32
        %sub3A_473 = vector.broadcast %sub3A_472 : f32 to vector<16xf32>
        %sub3A_474 = arith.subf %sub3A_473, %mul3A_471 : vector<16xf32>
        %mul3A_475 = arith.mulf %bitcast_convert_type3A_466, %sub3A_474 : vector<16xf32>
        %mul3A_476 = arith.mulf %mul3A_469, %mul3A_475 : vector<16xf32>
        %mul3A_477 = arith.mulf %mul3A_476, %mul3A_475 : vector<16xf32>
        %sub3A_478 = arith.constant 1.500000e+00 : f32
        %sub3A_479 = vector.broadcast %sub3A_478 : f32 to vector<16xf32>
        %sub3A_480 = arith.subf %sub3A_479, %mul3A_477 : vector<16xf32>
        %mul3A_481 = arith.mulf %mul3A_475, %sub3A_480 : vector<16xf32>
        %mul3A_482 = arith.mulf %mul3A_469, %mul3A_481 : vector<16xf32>
        %mul3A_483 = arith.mulf %mul3A_482, %mul3A_481 : vector<16xf32>
        %sub3A_484 = arith.constant 1.500000e+00 : f32
        %sub3A_485 = vector.broadcast %sub3A_484 : f32 to vector<16xf32>
        %sub3A_486 = arith.subf %sub3A_485, %mul3A_483 : vector<16xf32>
        %mul3A_487 = arith.mulf %mul3A_481, %sub3A_486 : vector<16xf32>
        %mul3A_488 = arith.mulf %add3A_458, %mul3A_487 : vector<16xf32>
        %mul3A_489 = arith.constant 31.622776 : f32
        %mul3A_490 = vector.broadcast %mul3A_489 : f32 to vector<16xf32>
        %mul3A_491 = arith.mulf %mul3A_488, %mul3A_490 : vector<16xf32>
        %add3A_492 = arith.constant 1.000000e-15 : f32
        %add3A_493 = vector.broadcast %add3A_492 : f32 to vector<16xf32>
        %add3A_494 = arith.addf %mul3A_491, %add3A_493 : vector<16xf32>
        %div3A_495 = arith.divf %add3A_450, %add3A_494 : vector<16xf32>
        %mul3A_496 = arith.constant 0.00999999977 : f32
        %mul3A_497 = vector.broadcast %mul3A_496 : f32 to vector<16xf32>
        %mul3A_498 = arith.mulf %mul3A_497, %div3A_495 : vector<16xf32>
        %sub3A_499 = arith.subf %get3A_431, %mul3A_498 : vector<16xf32>
        %swap3A_500 = arith.index_cast %scan3A_169 : i32 to index
        %swap3A_501 = arith.constant 48 : index
        %swap3A_502 = tpu.vector_load %arg11[%swap3A_500, %swap3A_501] {strides = array<i32>} : memref<128x64xf32, #tpu.memory_space<vmem>>, vector<1x16xf32>,
        %swap3A_503 = vector.shape_cast %swap3A_502 : vector<1x16xf32> to vector<16xf32>
        %swap3A_504 = vector.shape_cast %sub3A_499 : vector<16xf32> to vector<1x16xf32>
        tpu.vector_store %arg11[%swap3A_500, %swap3A_501], %swap3A_504 {strides = array<i32>} : memref<128x64xf32, #tpu.memory_space<vmem>>, vector<1x16xf32>,
        %swap3A_505 = arith.index_cast %scan3A_169 : i32 to index
        %swap3A_506 = arith.constant 48 : index
        %swap3A_507 = tpu.vector_load %arg12[%swap3A_505, %swap3A_506] {strides = array<i32>} : memref<128x64xf32, #tpu.memory_space<vmem>>, vector<1x16xf32>,
        %swap3A_508 = vector.shape_cast %swap3A_507 : vector<1x16xf32> to vector<16xf32>
        %swap3A_509 = vector.shape_cast %add3A_450 : vector<16xf32> to vector<1x16xf32>
        tpu.vector_store %arg12[%swap3A_505, %swap3A_506], %swap3A_509 {strides = array<i32>} : memref<128x64xf32, #tpu.memory_space<vmem>>, vector<1x16xf32>,
        %swap3A_510 = arith.index_cast %scan3A_169 : i32 to index
        %swap3A_511 = arith.constant 48 : index
        %swap3A_512 = tpu.vector_load %arg13[%swap3A_510, %swap3A_511] {strides = array<i32>} : memref<128x64xf32, #tpu.memory_space<vmem>>, vector<1x16xf32>,
        %swap3A_513 = vector.shape_cast %swap3A_512 : vector<1x16xf32> to vector<16xf32>
        %swap3A_514 = vector.shape_cast %add3A_458 : vector<16xf32> to vector<1x16xf32>
        tpu.vector_store %arg13[%swap3A_510, %swap3A_511], %swap3A_514 {strides = array<i32>} : memref<128x64xf32, #tpu.memory_space<vmem>>, vector<1x16xf32>,
        %scan3A_515 = arith.constant 0 : i32
        scf.yield %scan3A_515 : i32
      }
      %scan3A_131 = arith.constant 128 : i32
      %dma_start3A_132 = arith.constant 0 : i32
      %dma_start3A_133 = tpu.memref_slice %arg10[%scan3A_9, %dma_start3A_132] : memref<32x128xi32, #tpu.memory_space<vmem>> -> memref<1x128xi32, #tpu.memory_space<vmem>>
      %dma_start3A_134 = tpu.memref_squeeze %dma_start3A_133 : memref<1x128xi32, #tpu.memory_space<vmem>> -> memref<128xi32, #tpu.memory_space<vmem>>
      %dma_start3A_135 = arith.constant 0 : i32
      %dma_start3A_136 = arith.constant 0 : i32
      %dma_start3A_137 = tpu.memref_slice %arg2[%dma_start3A_135, %dma_start3A_136] : memref<501760x64xf32, #tpu.memory_space<hbm>> -> memref<501760x64xf32, #tpu.memory_space<hbm>>
      tpu.enqueue_indirect_dma source(%arg11 : memref<128x64xf32, #tpu.memory_space<vmem>>) target(%dma_start3A_137 : memref<501760x64xf32, #tpu.memory_space<hbm>>) offsets(%dma_start3A_134 : memref<128xi32, #tpu.memory_space<vmem>>) semaphore(%arg15 : memref<!tpu.dma_semaphore, #tpu.memory_space<semaphore_mem>>)
      %dma_start3A_138 = arith.constant 0 : i32
      %dma_start3A_139 = tpu.memref_slice %arg10[%scan3A_9, %dma_start3A_138] : memref<32x128xi32, #tpu.memory_space<vmem>> -> memref<1x128xi32, #tpu.memory_space<vmem>>
      %dma_start3A_140 = tpu.memref_squeeze %dma_start3A_139 : memref<1x128xi32, #tpu.memory_space<vmem>> -> memref<128xi32, #tpu.memory_space<vmem>>
      %dma_start3A_141 = arith.constant 0 : i32
      %dma_start3A_142 = arith.constant 0 : i32
      %dma_start3A_143 = tpu.memref_slice %arg3[%dma_start3A_141, %dma_start3A_142] : memref<501760x64xf32, #tpu.memory_space<hbm>> -> memref<501760x64xf32, #tpu.memory_space<hbm>>
      tpu.enqueue_indirect_dma source(%arg12 : memref<128x64xf32, #tpu.memory_space<vmem>>) target(%dma_start3A_143 : memref<501760x64xf32, #tpu.memory_space<hbm>>) offsets(%dma_start3A_140 : memref<128xi32, #tpu.memory_space<vmem>>) semaphore(%arg15 : memref<!tpu.dma_semaphore, #tpu.memory_space<semaphore_mem>>)
      %dma_start3A_144 = arith.constant 0 : i32
      %dma_start3A_145 = tpu.memref_slice %arg10[%scan3A_9, %dma_start3A_144] : memref<32x128xi32, #tpu.memory_space<vmem>> -> memref<1x128xi32, #tpu.memory_space<vmem>>
      %dma_start3A_146 = tpu.memref_squeeze %dma_start3A_145 : memref<1x128xi32, #tpu.memory_space<vmem>> -> memref<128xi32, #tpu.memory_space<vmem>>
      %dma_start3A_147 = arith.constant 0 : i32
      %dma_start3A_148 = arith.constant 0 : i32
      %dma_start3A_149 = tpu.memref_slice %arg4[%dma_start3A_147, %dma_start3A_148] : memref<501760x64xf32, #tpu.memory_space<hbm>> -> memref<501760x64xf32, #tpu.memory_space<hbm>>
      tpu.enqueue_indirect_dma source(%arg13 : memref<128x64xf32, #tpu.memory_space<vmem>>) target(%dma_start3A_149 : memref<501760x64xf32, #tpu.memory_space<hbm>>) offsets(%dma_start3A_146 : memref<128xi32, #tpu.memory_space<vmem>>) semaphore(%arg15 : memref<!tpu.dma_semaphore, #tpu.memory_space<semaphore_mem>>)
      %dma_wait3A_150 = arith.constant 0 : i32
      %dma_wait3A_151 = tpu.memref_slice %arg10[%scan3A_9, %dma_wait3A_150] : memref<32x128xi32, #tpu.memory_space<vmem>> -> memref<1x128xi32, #tpu.memory_space<vmem>>
      %dma_wait3A_152 = tpu.memref_squeeze %dma_wait3A_151 : memref<1x128xi32, #tpu.memory_space<vmem>> -> memref<128xi32, #tpu.memory_space<vmem>>
      %dma_wait3A_153 = arith.constant 0 : i32
      %dma_wait3A_154 = arith.constant 0 : i32
      %dma_wait3A_155 = tpu.memref_slice %arg2[%dma_wait3A_153, %dma_wait3A_154] : memref<501760x64xf32, #tpu.memory_space<hbm>> -> memref<501760x64xf32, #tpu.memory_space<hbm>>
      tpu.wait_indirect_dma semaphore(%arg15 : memref<!tpu.dma_semaphore, #tpu.memory_space<semaphore_mem>>) src(%arg11 : memref<128x64xf32, #tpu.memory_space<vmem>>) dst(%dma_wait3A_155 : memref<501760x64xf32, #tpu.memory_space<hbm>>)
      %dma_wait3A_156 = arith.constant 0 : i32
      %dma_wait3A_157 = tpu.memref_slice %arg10[%scan3A_9, %dma_wait3A_156] : memref<32x128xi32, #tpu.memory_space<vmem>> -> memref<1x128xi32, #tpu.memory_space<vmem>>
      %dma_wait3A_158 = tpu.memref_squeeze %dma_wait3A_157 : memref<1x128xi32, #tpu.memory_space<vmem>> -> memref<128xi32, #tpu.memory_space<vmem>>
      %dma_wait3A_159 = arith.constant 0 : i32
      %dma_wait3A_160 = arith.constant 0 : i32
      %dma_wait3A_161 = tpu.memref_slice %arg3[%dma_wait3A_159, %dma_wait3A_160] : memref<501760x64xf32, #tpu.memory_space<hbm>> -> memref<501760x64xf32, #tpu.memory_space<hbm>>
      tpu.wait_indirect_dma semaphore(%arg15 : memref<!tpu.dma_semaphore, #tpu.memory_space<semaphore_mem>>) src(%arg12 : memref<128x64xf32, #tpu.memory_space<vmem>>) dst(%dma_wait3A_161 : memref<501760x64xf32, #tpu.memory_space<hbm>>)
      %dma_wait3A_162 = arith.constant 0 : i32
      %dma_wait3A_163 = tpu.memref_slice %arg10[%scan3A_9, %dma_wait3A_162] : memref<32x128xi32, #tpu.memory_space<vmem>> -> memref<1x128xi32, #tpu.memory_space<vmem>>
      %dma_wait3A_164 = tpu.memref_squeeze %dma_wait3A_163 : memref<1x128xi32, #tpu.memory_space<vmem>> -> memref<128xi32, #tpu.memory_space<vmem>>
      %dma_wait3A_165 = arith.constant 0 : i32
      %dma_wait3A_166 = arith.constant 0 : i32
      %dma_wait3A_167 = tpu.memref_slice %arg4[%dma_wait3A_165, %dma_wait3A_166] : memref<501760x64xf32, #tpu.memory_space<hbm>> -> memref<501760x64xf32, #tpu.memory_space<hbm>>
      tpu.wait_indirect_dma semaphore(%arg15 : memref<!tpu.dma_semaphore, #tpu.memory_space<semaphore_mem>>) src(%arg13 : memref<128x64xf32, #tpu.memory_space<vmem>>) dst(%dma_wait3A_167 : memref<501760x64xf32, #tpu.memory_space<hbm>>)
      %scan3A_168 = arith.constant 0 : i32
      scf.yield %scan3A_168 : i32
    }
    %scan3A_8 = arith.constant 32 : i32
    return
  }
}

module attributes {stable_mosaic.version = 14 : i64} {
  func.func @_t_out_body(%arg0: i32, %arg1: memref<1024x128xf32, #tpu.memory_space<vmem>>, %arg2: memref<1024x128xf32, #tpu.memory_space<vmem>>, %arg3: memref<1024x128xf32, #tpu.memory_space<vmem>>, %arg4: memref<64x2048xf32, #tpu.memory_space<vmem>>, %arg5: memref<64x2048xf32, #tpu.memory_space<vmem>>, %arg6: memref<64x2048xf32, #tpu.memory_space<vmem>>) attributes {dimension_semantics = [#tpu.dimension_semantics<arbitrary>], iteration_bounds = array<i64: 245>, scalar_prefetch = 0 : i64, scratch_operands = 0 : i64, tpu.core_type = #tpu.core_type<tc>, window_params = [{transform_indices = @transform_0, window_bounds = array<i64: 1024, 128>}, {transform_indices = @transform_1, window_bounds = array<i64: 1024, 128>}, {transform_indices = @transform_2, window_bounds = array<i64: 1024, 128>}, {transform_indices = @transform_3, window_bounds = array<i64: 64, 2048>}, {transform_indices = @transform_4, window_bounds = array<i64: 64, 2048>}, {transform_indices = @transform_5, window_bounds = array<i64: 64, 2048>}]} {
    %get3A = arith.constant 0 : index
    %get3A_0 = arith.constant 0 : index
    %get3A_1 = vector.load %arg1[%get3A, %get3A_0] : memref<1024x128xf32, #tpu.memory_space<vmem>>, vector<1024x64xf32>
    %transpose3A = tpu.transpose %get3A_1, [1, 0] : vector<1024x64xf32> -> vector<64x1024xf32>
    %swap3A = arith.constant 0 : index
    %swap3A_2 = arith.constant 0 : index
    %swap3A_3 = vector.load %arg4[%swap3A, %swap3A_2] : memref<64x2048xf32, #tpu.memory_space<vmem>>, vector<64x1024xf32>
    tpu.vector_store %arg4[%swap3A, %swap3A_2], %transpose3A {strides = array<i32>} : memref<64x2048xf32, #tpu.memory_space<vmem>>, vector<64x1024xf32>,
    %get3A_4 = arith.constant 0 : index
    %get3A_5 = arith.constant 64 : index
    %get3A_6 = vector.load %arg1[%get3A_4, %get3A_5] : memref<1024x128xf32, #tpu.memory_space<vmem>>, vector<1024x64xf32>
    %transpose3A_7 = tpu.transpose %get3A_6, [1, 0] : vector<1024x64xf32> -> vector<64x1024xf32>
    %swap3A_8 = arith.constant 0 : index
    %swap3A_9 = arith.constant 1024 : index
    %swap3A_10 = vector.load %arg4[%swap3A_8, %swap3A_9] : memref<64x2048xf32, #tpu.memory_space<vmem>>, vector<64x1024xf32>
    tpu.vector_store %arg4[%swap3A_8, %swap3A_9], %transpose3A_7 {strides = array<i32>} : memref<64x2048xf32, #tpu.memory_space<vmem>>, vector<64x1024xf32>,
    %get3A_11 = arith.constant 0 : index
    %get3A_12 = arith.constant 0 : index
    %get3A_13 = vector.load %arg2[%get3A_11, %get3A_12] : memref<1024x128xf32, #tpu.memory_space<vmem>>, vector<1024x64xf32>
    %transpose3A_14 = tpu.transpose %get3A_13, [1, 0] : vector<1024x64xf32> -> vector<64x1024xf32>
    %swap3A_15 = arith.constant 0 : index
    %swap3A_16 = arith.constant 0 : index
    %swap3A_17 = vector.load %arg5[%swap3A_15, %swap3A_16] : memref<64x2048xf32, #tpu.memory_space<vmem>>, vector<64x1024xf32>
    tpu.vector_store %arg5[%swap3A_15, %swap3A_16], %transpose3A_14 {strides = array<i32>} : memref<64x2048xf32, #tpu.memory_space<vmem>>, vector<64x1024xf32>,
    %get3A_18 = arith.constant 0 : index
    %get3A_19 = arith.constant 64 : index
    %get3A_20 = vector.load %arg2[%get3A_18, %get3A_19] : memref<1024x128xf32, #tpu.memory_space<vmem>>, vector<1024x64xf32>
    %transpose3A_21 = tpu.transpose %get3A_20, [1, 0] : vector<1024x64xf32> -> vector<64x1024xf32>
    %swap3A_22 = arith.constant 0 : index
    %swap3A_23 = arith.constant 1024 : index
    %swap3A_24 = vector.load %arg5[%swap3A_22, %swap3A_23] : memref<64x2048xf32, #tpu.memory_space<vmem>>, vector<64x1024xf32>
    tpu.vector_store %arg5[%swap3A_22, %swap3A_23], %transpose3A_21 {strides = array<i32>} : memref<64x2048xf32, #tpu.memory_space<vmem>>, vector<64x1024xf32>,
    %get3A_25 = arith.constant 0 : index
    %get3A_26 = arith.constant 0 : index
    %get3A_27 = vector.load %arg3[%get3A_25, %get3A_26] : memref<1024x128xf32, #tpu.memory_space<vmem>>, vector<1024x64xf32>
    %transpose3A_28 = tpu.transpose %get3A_27, [1, 0] : vector<1024x64xf32> -> vector<64x1024xf32>
    %swap3A_29 = arith.constant 0 : index
    %swap3A_30 = arith.constant 0 : index
    %swap3A_31 = vector.load %arg6[%swap3A_29, %swap3A_30] : memref<64x2048xf32, #tpu.memory_space<vmem>>, vector<64x1024xf32>
    tpu.vector_store %arg6[%swap3A_29, %swap3A_30], %transpose3A_28 {strides = array<i32>} : memref<64x2048xf32, #tpu.memory_space<vmem>>, vector<64x1024xf32>,
    %get3A_32 = arith.constant 0 : index
    %get3A_33 = arith.constant 64 : index
    %get3A_34 = vector.load %arg3[%get3A_32, %get3A_33] : memref<1024x128xf32, #tpu.memory_space<vmem>>, vector<1024x64xf32>
    %transpose3A_35 = tpu.transpose %get3A_34, [1, 0] : vector<1024x64xf32> -> vector<64x1024xf32>
    %swap3A_36 = arith.constant 0 : index
    %swap3A_37 = arith.constant 1024 : index
    %swap3A_38 = vector.load %arg6[%swap3A_36, %swap3A_37] : memref<64x2048xf32, #tpu.memory_space<vmem>>, vector<64x1024xf32>
    tpu.vector_store %arg6[%swap3A_36, %swap3A_37], %transpose3A_35 {strides = array<i32>} : memref<64x2048xf32, #tpu.memory_space<vmem>>, vector<64x1024xf32>,
    return
  }
  func.func @transform_0(%arg0: i32) -> (i32, i32) {
    %c0_i32 = arith.constant 0 : i32
    %c0_i32_0 = arith.constant 0 : i32
    return %arg0, %c0_i32 : i32, i32
  }
  func.func @transform_1(%arg0: i32) -> (i32, i32) {
    %c0_i32 = arith.constant 0 : i32
    %c0_i32_0 = arith.constant 0 : i32
    return %arg0, %c0_i32 : i32, i32
  }
  func.func @transform_2(%arg0: i32) -> (i32, i32) {
    %c0_i32 = arith.constant 0 : i32
    %c0_i32_0 = arith.constant 0 : i32
    return %arg0, %c0_i32 : i32, i32
  }
  func.func @transform_3(%arg0: i32) -> (i32, i32) {
    %c0_i32 = arith.constant 0 : i32
    %c0_i32_0 = arith.constant 0 : i32
    return %c0_i32, %arg0 : i32, i32
  }
  func.func @transform_4(%arg0: i32) -> (i32, i32) {
    %c0_i32 = arith.constant 0 : i32
    %c0_i32_0 = arith.constant 0 : i32
    return %c0_i32, %arg0 : i32, i32
  }
  func.func @transform_5(%arg0: i32) -> (i32, i32) {
    %c0_i32 = arith.constant 0 : i32
    %c0_i32_0 = arith.constant 0 : i32
    return %c0_i32, %arg0 : i32, i32
  }
}

module attributes {stable_mosaic.version = 14 : i64} {
  func.func @_t_in_body(%arg0: i32, %arg1: memref<64x2048xf32, #tpu.memory_space<vmem>>, %arg2: memref<64x2048xf32, #tpu.memory_space<vmem>>, %arg3: memref<64x2048xf32, #tpu.memory_space<vmem>>, %arg4: memref<1024x128xf32, #tpu.memory_space<vmem>>, %arg5: memref<1024x128xf32, #tpu.memory_space<vmem>>, %arg6: memref<1024x128xf32, #tpu.memory_space<vmem>>) attributes {dimension_semantics = [#tpu.dimension_semantics<arbitrary>], iteration_bounds = array<i64: 245>, scalar_prefetch = 0 : i64, scratch_operands = 0 : i64, tpu.core_type = #tpu.core_type<tc>, window_params = [{transform_indices = @transform_0, window_bounds = array<i64: 64, 2048>}, {transform_indices = @transform_1, window_bounds = array<i64: 64, 2048>}, {transform_indices = @transform_2, window_bounds = array<i64: 64, 2048>}, {transform_indices = @transform_3, window_bounds = array<i64: 1024, 128>}, {transform_indices = @transform_4, window_bounds = array<i64: 1024, 128>}, {transform_indices = @transform_5, window_bounds = array<i64: 1024, 128>}]} {
    %get3A = arith.constant 0 : index
    %get3A_0 = arith.constant 0 : index
    %get3A_1 = vector.load %arg1[%get3A, %get3A_0] : memref<64x2048xf32, #tpu.memory_space<vmem>>, vector<64x1024xf32>
    %transpose3A = tpu.transpose %get3A_1, [1, 0] : vector<64x1024xf32> -> vector<1024x64xf32>
    %swap3A = arith.constant 0 : index
    %swap3A_2 = arith.constant 0 : index
    %swap3A_3 = vector.load %arg4[%swap3A, %swap3A_2] : memref<1024x128xf32, #tpu.memory_space<vmem>>, vector<1024x64xf32>
    tpu.vector_store %arg4[%swap3A, %swap3A_2], %transpose3A {strides = array<i32>} : memref<1024x128xf32, #tpu.memory_space<vmem>>, vector<1024x64xf32>,
    %get3A_4 = arith.constant 0 : index
    %get3A_5 = arith.constant 1024 : index
    %get3A_6 = vector.load %arg1[%get3A_4, %get3A_5] : memref<64x2048xf32, #tpu.memory_space<vmem>>, vector<64x1024xf32>
    %transpose3A_7 = tpu.transpose %get3A_6, [1, 0] : vector<64x1024xf32> -> vector<1024x64xf32>
    %swap3A_8 = arith.constant 0 : index
    %swap3A_9 = arith.constant 64 : index
    %swap3A_10 = vector.load %arg4[%swap3A_8, %swap3A_9] : memref<1024x128xf32, #tpu.memory_space<vmem>>, vector<1024x64xf32>
    tpu.vector_store %arg4[%swap3A_8, %swap3A_9], %transpose3A_7 {strides = array<i32>} : memref<1024x128xf32, #tpu.memory_space<vmem>>, vector<1024x64xf32>,
    %get3A_11 = arith.constant 0 : index
    %get3A_12 = arith.constant 0 : index
    %get3A_13 = vector.load %arg2[%get3A_11, %get3A_12] : memref<64x2048xf32, #tpu.memory_space<vmem>>, vector<64x1024xf32>
    %transpose3A_14 = tpu.transpose %get3A_13, [1, 0] : vector<64x1024xf32> -> vector<1024x64xf32>
    %swap3A_15 = arith.constant 0 : index
    %swap3A_16 = arith.constant 0 : index
    %swap3A_17 = vector.load %arg5[%swap3A_15, %swap3A_16] : memref<1024x128xf32, #tpu.memory_space<vmem>>, vector<1024x64xf32>
    tpu.vector_store %arg5[%swap3A_15, %swap3A_16], %transpose3A_14 {strides = array<i32>} : memref<1024x128xf32, #tpu.memory_space<vmem>>, vector<1024x64xf32>,
    %get3A_18 = arith.constant 0 : index
    %get3A_19 = arith.constant 1024 : index
    %get3A_20 = vector.load %arg2[%get3A_18, %get3A_19] : memref<64x2048xf32, #tpu.memory_space<vmem>>, vector<64x1024xf32>
    %transpose3A_21 = tpu.transpose %get3A_20, [1, 0] : vector<64x1024xf32> -> vector<1024x64xf32>
    %swap3A_22 = arith.constant 0 : index
    %swap3A_23 = arith.constant 64 : index
    %swap3A_24 = vector.load %arg5[%swap3A_22, %swap3A_23] : memref<1024x128xf32, #tpu.memory_space<vmem>>, vector<1024x64xf32>
    tpu.vector_store %arg5[%swap3A_22, %swap3A_23], %transpose3A_21 {strides = array<i32>} : memref<1024x128xf32, #tpu.memory_space<vmem>>, vector<1024x64xf32>,
    %get3A_25 = arith.constant 0 : index
    %get3A_26 = arith.constant 0 : index
    %get3A_27 = vector.load %arg3[%get3A_25, %get3A_26] : memref<64x2048xf32, #tpu.memory_space<vmem>>, vector<64x1024xf32>
    %transpose3A_28 = tpu.transpose %get3A_27, [1, 0] : vector<64x1024xf32> -> vector<1024x64xf32>
    %swap3A_29 = arith.constant 0 : index
    %swap3A_30 = arith.constant 0 : index
    %swap3A_31 = vector.load %arg6[%swap3A_29, %swap3A_30] : memref<1024x128xf32, #tpu.memory_space<vmem>>, vector<1024x64xf32>
    tpu.vector_store %arg6[%swap3A_29, %swap3A_30], %transpose3A_28 {strides = array<i32>} : memref<1024x128xf32, #tpu.memory_space<vmem>>, vector<1024x64xf32>,
    %get3A_32 = arith.constant 0 : index
    %get3A_33 = arith.constant 1024 : index
    %get3A_34 = vector.load %arg3[%get3A_32, %get3A_33] : memref<64x2048xf32, #tpu.memory_space<vmem>>, vector<64x1024xf32>
    %transpose3A_35 = tpu.transpose %get3A_34, [1, 0] : vector<64x1024xf32> -> vector<1024x64xf32>
    %swap3A_36 = arith.constant 0 : index
    %swap3A_37 = arith.constant 64 : index
    %swap3A_38 = vector.load %arg6[%swap3A_36, %swap3A_37] : memref<1024x128xf32, #tpu.memory_space<vmem>>, vector<1024x64xf32>
    tpu.vector_store %arg6[%swap3A_36, %swap3A_37], %transpose3A_35 {strides = array<i32>} : memref<1024x128xf32, #tpu.memory_space<vmem>>, vector<1024x64xf32>,
    return
  }
  func.func @transform_0(%arg0: i32) -> (i32, i32) {
    %c0_i32 = arith.constant 0 : i32
    %c0_i32_0 = arith.constant 0 : i32
    return %c0_i32, %arg0 : i32, i32
  }
  func.func @transform_1(%arg0: i32) -> (i32, i32) {
    %c0_i32 = arith.constant 0 : i32
    %c0_i32_0 = arith.constant 0 : i32
    return %c0_i32, %arg0 : i32, i32
  }
  func.func @transform_2(%arg0: i32) -> (i32, i32) {
    %c0_i32 = arith.constant 0 : i32
    %c0_i32_0 = arith.constant 0 : i32
    return %c0_i32, %arg0 : i32, i32
  }
  func.func @transform_3(%arg0: i32) -> (i32, i32) {
    %c0_i32 = arith.constant 0 : i32
    %c0_i32_0 = arith.constant 0 : i32
    return %arg0, %c0_i32 : i32, i32
  }
  func.func @transform_4(%arg0: i32) -> (i32, i32) {
    %c0_i32 = arith.constant 0 : i32
    %c0_i32_0 = arith.constant 0 : i32
    return %arg0, %c0_i32 : i32, i32
  }
  func.func @transform_5(%arg0: i32) -> (i32, i32) {
    %c0_i32 = arith.constant 0 : i32
    %c0_i32_0 = arith.constant 0 : i32
    return %arg0, %c0_i32 : i32, i32
  }
}

module attributes {stable_mosaic.version = 14 : i64} {
  func.func @_t_in_body(%arg0: i32, %arg1: memref<64x512xf32, #tpu.memory_space<vmem>>, %arg2: memref<256x128xf32, #tpu.memory_space<vmem>>) attributes {dimension_semantics = [#tpu.dimension_semantics<arbitrary>], iteration_bounds = array<i64: 256>, scalar_prefetch = 0 : i64, scratch_operands = 0 : i64, tpu.core_type = #tpu.core_type<tc>, window_params = [{transform_indices = @transform_0, window_bounds = array<i64: 64, 512>}, {transform_indices = @transform_1, window_bounds = array<i64: 256, 128>}]} {
    %get3A = arith.constant 0 : index
    %get3A_0 = arith.constant 0 : index
    %get3A_1 = vector.load %arg1[%get3A, %get3A_0] : memref<64x512xf32, #tpu.memory_space<vmem>>, vector<64x256xf32>
    %transpose3A = tpu.transpose %get3A_1, [1, 0] : vector<64x256xf32> -> vector<256x64xf32>
    %swap3A = arith.constant 0 : index
    %swap3A_2 = arith.constant 0 : index
    %swap3A_3 = vector.load %arg2[%swap3A, %swap3A_2] : memref<256x128xf32, #tpu.memory_space<vmem>>, vector<256x64xf32>
    tpu.vector_store %arg2[%swap3A, %swap3A_2], %transpose3A {strides = array<i32>} : memref<256x128xf32, #tpu.memory_space<vmem>>, vector<256x64xf32>,
    %get3A_4 = arith.constant 0 : index
    %get3A_5 = arith.constant 256 : index
    %get3A_6 = vector.load %arg1[%get3A_4, %get3A_5] : memref<64x512xf32, #tpu.memory_space<vmem>>, vector<64x256xf32>
    %transpose3A_7 = tpu.transpose %get3A_6, [1, 0] : vector<64x256xf32> -> vector<256x64xf32>
    %swap3A_8 = arith.constant 0 : index
    %swap3A_9 = arith.constant 64 : index
    %swap3A_10 = vector.load %arg2[%swap3A_8, %swap3A_9] : memref<256x128xf32, #tpu.memory_space<vmem>>, vector<256x64xf32>
    tpu.vector_store %arg2[%swap3A_8, %swap3A_9], %transpose3A_7 {strides = array<i32>} : memref<256x128xf32, #tpu.memory_space<vmem>>, vector<256x64xf32>,
    return
  }
  func.func @transform_0(%arg0: i32) -> (i32, i32) {
    %c0_i32 = arith.constant 0 : i32
    %c0_i32_0 = arith.constant 0 : i32
    return %c0_i32, %arg0 : i32, i32
  }
  func.func @transform_1(%arg0: i32) -> (i32, i32) {
    %c0_i32 = arith.constant 0 : i32
    %c0_i32_0 = arith.constant 0 : i32
    return %arg0, %c0_i32 : i32, i32
  }
}

</mosaic_0001>

<sc_bundles>
// kernel: kernel.6.cloned.1.call-start
scs
__scs_entry_jumppad:
0x0: {  	(pc) =	sbr.rel $0x88, $3  }
0x1: {  	(tag) =	ssettag $0x0;
	lr =	simm.s32 $0x1  }
0x2: {  	[smem:$0x3F9C] =	sst lr;
	_ =	strace $0xD0000000  }
0x3: {  	_ = 	snop  }
0x4: {  	_ = 	snop  }
0x5: {  	_ = 	snop  }
0x6: {  	_ = 	snop  }
0x7: {  	_ = 	snop  }
__scs_overlays_trampoline_lowered:
0x8: {  	[smem:$0x3FAB] =	sst s0  }
0x9: {  	[smem:$0x3FAC] =	sst s1  }
0xa: {  	[smem:$0x3FAD] =	sst s2  }
0xb: {  	[smem:$0x3FAE] =	sst s3  }
0xc: {  	[smem:$0x3FAF] =	sst s4  }
0xd: {  	[smem:$0x3FB0] =	sst s5  }
0xe: {  	[smem:$0x3FB1] =	sst s6  }
0xf: {  	[smem:$0x3FB2] =	sst s7  }
0x10: {  	[smem:$0x3FB3] =	sst s8  }
0x11: {  	[smem:$0x3FB4] =	sst s9;
	s0 =	simm.s32 @!p0 $0x0  }
0x12: {  	s1 =	sld [smem:$0x3F9A];
	s0 =	simm.s32 @p0 $0x1  }
0x13: {  	[smem:$0x3FB5] =	sst s0;
	s0 =	simm.s32 @!p1 $0x0  }
0x14: {  	s2 =	sld [smem:$0x3F99];
	s0 =	simm.s32 @p1 $0x1  }
0x15: {  	[smem:$0x3FB6] =	sst s0;
	s0 =	simm.s32 @!p2 $0x0  }
0x16: {  	s3 =	sld [smem:$0x3FDB];
	s0 =	simm.s32 @p2 $0x1  }
0x17: {  	s4 =	simm.s32 $0x1BF5;
	[smem:$0x3FB8] =	sst s0  }
0x18: {  	s0 =	sld [smem:$0x3F9B];
	_ =	swait.ge [sflag:s4], $0x0  }
0x19: {  	s7 =	sld [smem:$0x3F9C]  }
0x1a: {  	s8 =	sadd.s32 $0xFFFFE003, lr  }
0x1b: {  	s9 =	sadd.s32 $0xFFFFFEF7, lr;
	s5 =	simm.s32 $0xFFFFFFFF;
	p2 =	slt.u32 s8, $0xFFFFF086  }
0x1c: {  	p1 =	slt.u32 s9, $0xF7A;
	s5 =	simm.s32 @!p2 $0x0  }
0x1d: {  	s5 =	simm.s32 @p1 $0x1;
	p0 =	seq.s32 s7, s2  }
0x1e: {  	s7 =	smul.u32 @!p0 $0xF7A, s2;
	p2 =	seq.s32 @!p0 s5, $0x0  }
0x1f: {  	s9 =	smul.u32 $0xF7A, s1;
	s8 =	simm.s32 @!p0 $0x1BF5;
	p2 =	por !p2, p0  }
0x20: {  	[sflag:s8] =	ssyncset.s32 @!p0 $0xFFFFF086;
	s6 =	sadd.s32 @!p0 s3, s7;
	s7 =	simm.s32 @!p0 $0x108  }
0x21: {  	s3 =	sadd.s32 s3, s9;
	s6 =	sadd.s32 @!p0 $0x88, s6;
	s7 =	simm.s32 @p2 $0x1082  }
0x22: {  	[simem:s7], [sflag:s8] =	dma.local @!p0 [hbm:s6], $0xF7A  }
0x23: {  	s9 =	sor.u32 $0xD0000000, s2;
	s6 =	simm.s32 $0x108;
	_ =	swait.ge @!p0 [sflag:s8], $0x0  }
0x24: {  	s3 =	sadd.s32 $0x88, s3;
	s6 =	simm.s32 @!p1 $0x1082;
	[sflag:s4] =	ssyncset.s32 $0xFFFFF086  }
0x25: {  	[simem:s6], [sflag:s4] =	dma.local [hbm:s3], $0xF7A  }
0x26: {  	[smem:$0x3F9C] =	sst s1;
	(tag) =	ssettag s2;
	_ =	strace s9  }
0x27: {  	s1 =	sld [smem:$0x3FAC]  }
0x28: {  	s2 =	sld [smem:$0x3FAD]  }
0x29: {  	s4 =	sld [smem:$0x3FAF]  }
0x2a: {  	p0 =	seq.s32 s5, $0x0;
	s5 =	sld [smem:$0x3FB0]  }
0x2b: {  	s6 =	sld [smem:$0x3FB1]  }
0x2c: {  	s7 =	sld [smem:$0x3FB2]  }
0x2d: {  	s3 =	simm.s32 $0x108;
	s8 =	sld [smem:$0x3FB3]  }
0x2e: {  	s3 =	simm.s32 @!p0 $0x1082;
	s9 =	sld [smem:$0x3FB4]  }
0x2f: {  	lr =	sadd.s32 s0, s3;
	s0 =	sld [smem:$0x3FAB]  }
0x30: {  	s3 =	sld [smem:$0x3FAE]  }
0x31: {  	[smem:$0x3FB7] =	sst s10  }
0x32: {  	s10 =	sld [smem:$0x3FB5];
	_ =	sdelay $0x3  }
0x33: {  	p0 =	seq.s32 s10, $0x1;
	s10 =	sld [smem:$0x3FB7];
	_ =	sdelay $0x3  }
0x34: {  	[smem:$0x3FB7] =	sst s10  }
0x35: {  	s10 =	sld [smem:$0x3FB6];
	_ =	sdelay $0x3  }
0x36: {  	p1 =	seq.s32 s10, $0x1;
	s10 =	sld [smem:$0x3FB7];
	_ =	sdelay $0x3  }
0x37: {  	[smem:$0x3FB7] =	sst s10  }
0x38: {  	s10 =	sld [smem:$0x3FB8]  }
0x39: {  	_ = 	snop;
	(pc) =	sbr.ind lr, $3  }
0x3a: {  	_ = 	snop  }
0x3b: {  	_ = 	snop  }
0x3c: {  	p2 =	seq.s32 s10, $0x1;
	s10 =	sld [smem:$0x3FB7]  }
0x3d: {  	_ =	shalt  }
0x3e: {  	_ =	shalt  }
0x3f: {  	_ =	shalt  }
0x40: {  	_ =	shalt  }
0x41: {  	_ =	shalt  }
0x42: {  	_ =	shalt  }
0x43: {  	_ =	shalt  }
0x44: {  	_ =	shalt  }
0x45: {  	_ =	shalt  }
0x46: {  	_ =	shalt  }
0x47: {  	_ =	shalt  }
0x48: {  	_ =	shalt  }
0x49: {  	_ =	shalt  }
0x4a: {  	_ =	shalt  }
0x4b: {  	_ =	shalt  }
0x4c: {  	_ =	shalt  }
0x4d: {  	_ =	shalt  }
0x4e: {  	_ =	shalt  }
0x4f: {  	_ =	shalt  }
0x50: {  	_ =	shalt  }
0x51: {  	_ =	shalt  }
0x52: {  	_ =	shalt  }
0x53: {  	_ =	shalt  }
0x54: {  	_ =	shalt  }
0x55: {  	_ =	shalt  }
0x56: {  	_ =	shalt  }
0x57: {  	_ =	shalt  }
0x58: {  	_ =	shalt  }
0x59: {  	_ =	shalt  }
0x5a: {  	_ =	shalt  }
0x5b: {  	_ =	shalt  }
0x5c: {  	_ =	shalt  }
0x5d: {  	_ =	shalt  }
0x5e: {  	_ =	shalt  }
0x5f: {  	_ =	shalt  }
0x60: {  	_ =	shalt  }
0x61: {  	_ =	shalt  }
0x62: {  	_ =	shalt  }
0x63: {  	_ =	shalt  }
0x64: {  	_ =	shalt  }
0x65: {  	_ =	shalt  }
0x66: {  	_ =	shalt  }
0x67: {  	_ =	shalt  }
0x68: {  	_ =	shalt  }
0x69: {  	_ =	shalt  }
0x6a: {  	_ =	shalt  }
0x6b: {  	_ =	shalt  }
0x6c: {  	_ =	shalt  }
0x6d: {  	_ =	shalt  }
0x6e: {  	_ =	shalt  }
0x6f: {  	_ =	shalt  }
0x70: {  	_ =	shalt  }
0x71: {  	_ =	shalt  }
0x72: {  	_ =	shalt  }
0x73: {  	_ =	shalt  }
0x74: {  	_ =	shalt  }
0x75: {  	_ =	shalt  }
0x76: {  	_ =	shalt  }
0x77: {  	_ =	shalt  }
0x78: {  	_ =	shalt  }
0x79: {  	_ =	shalt  }
0x7a: {  	_ =	shalt  }
0x7b: {  	_ =	shalt  }
0x7c: {  	_ =	shalt  }
0x7d: {  	_ =	shalt  }
0x7e: {  	_ =	shalt  }
0x7f: {  	_ =	shalt  }
0x80: {  	_ =	shalt  }
0x81: {  	_ =	shalt  }
0x82: {  	_ =	shalt  }
0x83: {  	_ =	shalt  }
0x84: {  	_ =	shalt  }
0x85: {  	_ =	shalt  }
0x86: {  	_ =	shalt  }
0x87: {  	_ =	shalt  }
.Lfunc_end0:
.L_simem_size_0:
called_computation_lowered:
.L_overlay_start_0:
0x88: {  	s2 =	sld [smem:$0x3FD9]  }
0x89: {  	s3 =	sld [smem:$0x3FFE];
	_ =	sdelay $0x1  }
0x8a: {  	s1 =	srdreg.scid  }
0x8b: {  	s0 =	sand.u32 $0x1, s1  }
0x8c: {  	s14 =	sshll.u32 s0, $0xA;
	s2 =	sadd.s32 s3, s2  }
0x8d: {  	s2 =	sadd.s32 s2, s14  }
0x8e: {  	[smem:$0x3FC3] =	sst s2  }
0x8f: {  	_ = 	snop  }
0x90: {  	s2 =	sld [smem:$0x3FD0];
	_ =	sdelay $0x2  }
0x91: {  	s15 =	simm.s32 $0xA;
	s4 =	simm.s32 $0x10  }
0x92: {  	[smem:s4], [sflag:s15] =	dma.local [hbm:s2], $0x1  }
0x93: {  	_ =	swait.eq [sflag:s15], $0x1  }
0x94: {  	[sflag:s15] =	ssyncset.done $0x0  }
0x95: {  	s16 =	sld [smem:$0x11];
	[sflag:s15] =	ssyncadd.s32 $0xFFFFFFFF  }
0x96: {  	s17 =	sld [smem:$0x12];
	(tm) =	ssettm $0x1  }
0x97: {  	s18 =	sld [smem:$0x3FFB];
	_ =	sdelay $0x3  }
0x98: {  	_ =	strace s18  }
0x99: {  	s4 =	sld [smem:$0x3FFC];
	_ =	sdelay $0x3  }
0x9a: {  	_ =	strace s4  }
0x9b: {  	s4 =	sld [smem:$0x3FFD];
	_ =	sdelay $0x3  }
0x9c: {  	_ =	strace s4  }
0x9d: {  	_ =	strace $0x8FFFFFFF  }
0x9e: {  	s19 =	sld [smem:$0x3FDB];
	_ =	sdelay $0x1  }
0x9f: {  	s5 =	simm.s32 $_scs_section_size  }
0xa0: {  	s6 =	simm.s32 $_size__tile_overlayer_lowered;
	s7 =	simm.s32 $_tile_overlayer_lowered  }
0xa1: {  	s22 =	simm.s32 $0x1BFF;
	s21 =	sshll.u32 s7, $0x1;
	s4 =	sadd.s32 s5, s19  }
0xa2: {  	s8 =	simm.s32 $0x0;
	s20 =	sshll.u32 s6, $0x1;
	s6 =	sadd.s32 s21, s4  }
0xa3: {  	[timem:s8], [sflag:s22] =	dma.local [hbm:s6], s20  }
0xa4: {  	_ =	swait.ge [sflag:s22], s20  }
0xa5: {  	s5 =	ssub.s32 $0x0, s20;
	[sflag:s22] =	ssyncset.done $0x0  }
0xa6: {  	[sflag:s22] =	ssyncadd.s32 s5;
	_ =	sdelay $0x1  }
0xa7: {  	s23 =	simm.s32 $0x1B8B  }
0xa8: {  	_ =	swait.ge [sflag:s23], $0x1  }
0xa9: {  	[sflag:s23] =	ssyncset.done $0x0  }
0xaa: {  	s25 =	simm.s32 $0x1B8E;
	s24 =	sld [smem:$0x3FFE];
	[sflag:s23] =	ssyncadd.s32 $0xFFFFFFFF  }
0xab: {  	s26 =	simm.s32 $execute0_lowered;
	[smem:$0x3FD2] =	sst s25  }
0xac: {  	s6 =	sshll.u32 s26, $0x1;
	_ =	strace $0x80000046;
	[dreg:$0x1] =	wrdreg $0xFFFFFFFF  }
0xad: {  	s28 =	simm.s32 $_size_execute0_lowered;
	s4 =	sadd.s32 s4, s6;
	[dreg:$0x0] =	wrdreg $0x0  }
0xae: {  	s6 =	sshll.u32 s28, $0x1;
	[dreg:$0x2] =	wrdreg s4  }
0xaf: {  	[dreg:$0x3] =	wrdreg s6  }
0xb0: {  	[dreg:$0x4] =	wrdreg $0xC0  }
0xb1: {  	_ =	task [dreg:s8], $0x5FFFF  }
0xb2: {  	[dreg:$0x1] =	wrdreg $0xFFFFFFFF  }
0xb3: {  	[dreg:$0x0] =	wrdreg $0x60  }
0xb4: {  	[dreg:$0x2] =	wrdreg s24  }
0xb5: {  	[dreg:$0x3] =	wrdreg s17  }
0xb6: {  	[dreg:$0x4] =	wrdreg s16  }
0xb7: {  	[dreg:$0x5] =	wrdreg $0x9  }
0xb8: {  	_ =	task.clear_ibuf [dreg:s8], $0x6FFFF;
	_ =	strace $0x90000046  }
0xb9: {  	s29 =	simm.s32 $0x9;
	_ =	strace $0x80000048  }
0xba: {  	_ =	swait.ge [sflag:s29], $0x1  }
0xbb: {  	[sflag:s29] =	ssyncadd.s32 $0xFFFFFFFF  }
0xbc: {  	_ =	strace $0x90000048  }
0xbd: {  	_ =	sfence  }
0xbe: {  	s30 =	sld [smem:$0x0];
	_ =	sdelay $0x2  }
0xbf: {  	s31 =	sshll.u32 s1, $0xD;
	s1 =	sshrl.u32 s1, $0x2  }
0xc0: {  	s3 =	sand.u32 $0x4000, s31;
	s1 =	sadd.s32 s1, s30  }
0xc1: {  	s0 =	sor.u32 s3, s0;
	s1 =	sshll.u32 s1, $0x11  }
0xc2: {  	s0 =	sor.u32 s1, s0  }
0xc3: {  	s0 =	sadd.s32 $0x8F2B, s0  }
0xc4: {  	[sflag:s0] =	ssyncadd.remote.s32 $0x1  }
0xc5: {  	_ =	sfence.sel $0xFFFF  }
0xc6: {  	[dreg:$0x0] =	wrdreg $0xFFFFFFFF;
	(pc) =	sbr.abs _section_cstart, $3  }
0xc7: {  	[dreg:$0x1] =	wrdreg $0xFFFFFFFF  }
0xc8: {  	_ =	task.clear_ibuf [dreg:s8], $0x2FFFF;
	_ =	strace $0x9FFFFFFF  }
0xc9: {  	(tm) =	ssettm $0x7FFFFFFF  }
tec
execute0_lowered:
.L_overlay_start_1:
0x0: {  	(tag) =	ssettag $0x1  }
0x1: {  	s7 =	rddreg [dreg:$0x0]  }
0x2: {  	s1 =	rddreg [dreg:$0x1]  }
0x3: {  	s8 =	rddreg [dreg:$0x2]  }
0x4: {  	s0 =	rddreg [dreg:$0x3]  }
0x5: {  	s3 =	simm.s32 $0x0;
	s4 =	srdreg.scid;
	s2 =	stileid.u32  }
0x6: {  	s11 =	simm.s32 $0x1;
	s12 =	simm.s32 $0x40;
	s13 =	simm.s32 $0x80  }
0x7: {  	s14 =	simm.s32 $0x7000;
	s15 =	simm.s32 $0x1000;
	s16 =	simm.s32 $0x3000  }
0x8: {  	s17 =	simm.s32 $0x5000;
	s18 =	simm.s32 $0x0;
	[smem:$0x7FF] =	sst s3  }
0x9: {  	s4 =	sand.u32 $0x1, s4;
	s5 =	sshll.u32 s2, $0x6;
	_ =	strace $0x80000047  }
0xa: {  	s9 =	ssub.s32 $0x2, s4;
	s6 =	sshll.u32 s4, $0x5;
	s4 =	sadd.s32 $0xC00, s7  }
0xb: {  	s10 =	sshrl.u32 s9, $0x1;
	s5 =	sor.u32 s6, s5;
	s6 =	sadd.s32 $0x3D4C00, s7  }
0xc: {  	s7 =	sadd.s32 $0x7A8C00, s7;
	s9 =	ssub.s32 s9, s10;
	s31 =	sshll.u32 s5, $0x4  }
0xd: {  	s10 =	simm.s32 $0x2;
	s8 =	sadd.s32 s8, s31;
	s9 =	smax.u32 s9, $0x1  }
.LBB2_1:
0xe: {  	[tilespmem:s3], [sflag:$0x2] =	stream.linear.gather [hbm4b:s8+s3], $0x1000, $0x38;
	[tilespmem:$0x9000] =	vst v63  }
0xf: {  	_ =	swait.ge [sflag:s10], $0x1000  }
0x10: {  	[sflag:s10] =	ssyncset.done $0x0  }
0x11: {  	s19 =	simm.s32 $0x0;
	[sflag:s10] =	ssyncadd.s32 $0xFFFFF000  }
.LBB2_2:
0x12: {  	s20 =	sor.u32 s5, s19;
	s21 =	sand.u32 $0x3, s19  }
0x13: {  	s22 =	sand.u32 $0x1, s19;
	p0 =	seq.s32 s20, $0x0;
	p1 =	sne.s32 s21, $0x0  }
0x14: {  	s28 =	sshrl.u32 s19, $0x1;
	s29 =	sshll.u32 s19, $0xE;
	p1 =	por !p0, !p1  }
0x15: {  	s21 =	simm.s32 $0x1;
	p6 =	seq.s32 s22, $0x1;
	p1 =	por !p1, !p1  }
0x16: {  	s20 =	sshrl.u32 s20, $0x2;
	p0 =	por !p0, !p6;
	s21 =	simm.s32 @!p1 $0x0  }
0x17: {  	p0 =	por !p0, !p0;
	s20 =	ssub.s32 s20, s21;
	s21 =	sand.u32 $0x1, s28  }
0x18: {  	s30 =	sand.u32 $0x4000, s29;
	p2 =	por !p0, !p0;
	p1 =	seq.s32 s21, $0x1  }
0x19: {  	s22 =	simm.s32 $0x40;
	s20 =	sshll.u32 s20, $0xF;
	p2 =	por @!p1 p0, p0  }
0x1a: {  	s20 =	sor.u32 s30, s20;
	s22 =	simm.s32 @!p2 $0x0  }
0x1b: {  	s20 =	sor.u32 s22, s20  }
0x1c: {  	s20 =	sshrl.u32 s20, $0x3  }
0x1d: {  	s20 =	sadd.s32 s1, s20  }
0x1e: {  	[tilespmem:s14], [sflag:$0x2] =	stream.strided.gather [hbm4b:s20+s12], $0x2000, s13, s12, $0x38;
	[tilespmem:$0x9000] =	vst v63  }
0x1f: {  	_ =	swait.ge [sflag:s10], $0x2000  }
0x20: {  	s31 =	sshll.u32 s19, $0x7;
	[sflag:s10] =	ssyncset.done $0x0  }
0x21: {  	s20 =	sand.u32 $0x3FFFFF80, s31;
	[sflag:s10] =	ssyncadd.s32 $0xFFFFE000  }
0x22: {  	[tilespmem:s15], [sflag:$0x1] =	stream.indirect.gather [hbm4b:s4+s13], $0x40, s20, s13, $0xb8;
	[tilespmem:$0x9000] =	vst v63  }
0x23: {  	_ = 	snop  }
0x24: {  	[tilespmem:s16], [sflag:$0x1] =	stream.indirect.gather [hbm4b:s6+s13], $0x40, s20, s13, $0xb8;
	[tilespmem:$0x9000] =	vst v63  }
0x25: {  	_ = 	snop  }
0x26: {  	[tilespmem:s17], [sflag:$0x1] =	stream.indirect.gather [hbm4b:s7+s13], $0x40, s20, s13, $0xb8;
	[tilespmem:$0x9000] =	vst v63  }
0x27: {  	_ =	swait.ge [sflag:s11], $0x2000  }
0x28: {  	[sflag:s11] =	ssyncset.done $0x0  }
0x29: {  	[sflag:s11] =	ssyncadd.s32 $0xFFFFE000  }
0x2a: {  	_ =	swait.ge [sflag:s11], $0x2000  }
0x2b: {  	[sflag:s11] =	ssyncset.done $0x0  }
0x2c: {  	[sflag:s11] =	ssyncadd.s32 $0xFFFFE000  }
0x2d: {  	_ =	swait.ge [sflag:s11], $0x2000  }
0x2e: {  	[sflag:s11] =	ssyncset.done $0x0  }
0x2f: {  	s22 =	simm.s32 $0x0;
	[sflag:s11] =	ssyncadd.s32 $0xFFFFE000  }
0x30: {  	v0 =	vld [tilespmem:s22+$0x7030]  }
0x31: {  	v2 =	vld [tilespmem:s22+$0x5030]  }
0x32: {  	v5 =	vld [tilespmem:s22+$0x7010]  }
0x33: {  	v1 =	vld [tilespmem:s22+$0x5010]  }
0x34: {  	v8 =	vld [tilespmem:s22+$0x7000]  }
0x35: {  	v7 =	vld [tilespmem:s22+$0x7020]  }
0x36: {  	v4 =	vld [tilespmem:s22+$0x5020];
	v6 =	vmul.f32 v0, v0  }
0x37: {  	v2 =	vmul.f32 $9.990000120e-01, v2;
	v11 =	vmul.f32 v5, v5  }
0x38: {  	v3 =	vld [tilespmem:s22+$0x5000];
	v1 =	vmul.f32 $9.990000120e-01, v1;
	v6 =	vmul.f32 $1.000000050e-03, v6  }
0x39: {  	v10 =	vmul.f32 v8, v8;
	v13 =	vmul.f32 $1.000000050e-03, v11  }
0x3a: {  	v2 =	vadd.f32 v6, v2;
	v6 =	vmul.f32 v7, v7  }
0x3b: {  	v4 =	vmul.f32 $9.990000120e-01, v4;
	v15 =	vmul.f32 $1.000000050e-03, v10;
	v10 =	vadd.f32 v13, v1  }
0x3c: {  	v9 =	vshra.s32 v2, $0x1;
	v14 =	vmul.f32 $5.000000000e-01, v2;
	v6 =	vmul.f32 $1.000000050e-03, v6  }
0x3d: {  	v3 =	vmul.f32 $9.990000120e-01, v3;
	v9 =	vsub.s32 $0x5F3759DF, v9  }
0x3e: {  	v1 =	vshra.s32 v10, $0x1;
	v12 =	vmul.f32 v9, v14;
	v11 =	vadd.f32 v6, v4  }
0x3f: {  	v1 =	vsub.s32 $0x5F3759DF, v1;
	v4 =	vadd.f32 v15, v3  }
0x40: {  	v6 =	vmul.f32 v9, v12;
	v3 =	vshra.s32 v11, $0x1;
	v16 =	vmul.f32 $5.000000000e-01, v11  }
0x41: {  	v12 =	vmul.f32 $1.000000010e-01, v5;
	v5 =	vmul.f32 $5.000000000e-01, v10;
	v3 =	vsub.s32 $0x5F3759DF, v3  }
0x42: {  	v15 =	vmul.f32 $1.000000010e-01, v0;
	v0 =	vsub.f32 $1.500000000e+00, v6;
	v13 =	vmul.f32 v3, v16  }
0x43: {  	v18 =	vmul.f32 v1, v5  }
0x44: {  	[tilespmem:s22+$0x5030] =	vst v2;
	v6 =	vshra.s32 v4, $0x1;
	v0 =	vmul.f32 v9, v0;
	v20 =	vmul.f32 v3, v13  }
0x45: {  	[tilespmem:s22+$0x5010] =	vst v10;
	v6 =	vsub.s32 $0x5F3759DF, v6;
	v9 =	vmul.f32 $5.000000000e-01, v4;
	v18 =	vmul.f32 v1, v18  }
0x46: {  	v31 =	vld [tilespmem:s22+$0x3020];
	[tilespmem:s22+$0x5020] =	vst v11;
	v13 =	vmul.f32 $1.000000010e-01, v7;
	v17 =	vmul.f32 v0, v14;
	v7 =	vsub.f32 $1.500000000e+00, v20  }
0x47: {  	s21 =	simm.s32 $0x40;
	v21 =	vmul.f32 $1.000000010e-01, v8;
	[tilespmem:s22+$0x5000] =	vst v4;
	v19 =	vmul.f32 v6, v9;
	v20 =	vld [tilespmem:s22+$0x3030];
	v8 =	vsub.f32 $1.500000000e+00, v18  }
0x48: {  	v17 =	vmul.f32 v17, v0;
	v3 =	vmul.f32 v3, v7;
	v7 =	vld [tilespmem:s21+$0x5000]  }
0x49: {  	v19 =	vmul.f32 v6, v19;
	v22 =	vmul.f32 v1, v8;
	v1 =	vld [tilespmem:s21+$0x5020]  }
0x4a: {  	v17 =	vsub.f32 $1.500000000e+00, v17  }
0x4b: {  	v31 =	vmul.f32 $8.999999760e-01, v31;
	v18 =	vsub.f32 $1.500000000e+00, v19;
	v19 =	vld [tilespmem:s21+$0x5010];
	v24 =	vmul.f32 v22, v5  }
0x4c: {  	v20 =	vmul.f32 $8.999999760e-01, v20;
	v0 =	vmul.f32 v17, v0  }
0x4d: {  	v8 =	vmul.f32 v6, v18;
	v17 =	vld [tilespmem:s21+$0x7030];
	v24 =	vmul.f32 v24, v22  }
0x4e: {  	v18 =	vld [tilespmem:s21+$0x5030];
	v7 =	vmul.f32 $9.990000120e-01, v7;
	v27 =	vmul.f32 $9.990000120e-01, v1  }
0x4f: {  	v6 =	vmul.f32 v0, v14;
	v14 =	vmul.f32 v3, v16  }
0x50: {  	v23 =	vmul.f32 v8, v9;
	v24 =	vsub.f32 $1.500000000e+00, v24;
	v19 =	vmul.f32 $9.990000120e-01, v19  }
0x51: {  	v25 =	vld [tilespmem:s21+$0x7000];
	v6 =	vmul.f32 v6, v0;
	v14 =	vmul.f32 v14, v3  }
0x52: {  	v23 =	vmul.f32 v23, v8;
	v22 =	vmul.f32 v24, v22  }
0x53: {  	v26 =	vld [tilespmem:s21+$0x7010];
	v28 =	vmul.f32 v17, v17;
	v18 =	vmul.f32 $9.990000120e-01, v18;
	v6 =	vsub.f32 $1.500000000e+00, v6  }
0x54: {  	v1 =	vld [tilespmem:s21+$0x7020];
	v17 =	vmul.f32 $1.000000010e-01, v17;
	v14 =	vsub.f32 $1.500000000e+00, v14;
	v5 =	vmul.f32 v22, v5  }
0x55: {  	v28 =	vmul.f32 $1.000000050e-03, v28;
	v0 =	vmul.f32 v6, v0  }
0x56: {  	v6 =	vmul.f32 v25, v25;
	v32 =	vmul.f32 v14, v3  }
0x57: {  	v5 =	vmul.f32 v5, v22;
	v29 =	vmul.f32 v0, v2  }
0x58: {  	v14 =	vsub.f32 $1.500000000e+00, v23;
	v0 =	vmul.f32 $1.000000010e-01, v26;
	v2 =	vmul.f32 v26, v26  }
0x59: {  	v26 =	vadd.f32 v28, v18;
	v18 =	vmul.f32 v1, v1;
	v1 =	vmul.f32 $1.000000010e-01, v1  }
0x5a: {  	v15 =	vadd.f32 v15, v20;
	v6 =	vmul.f32 $1.000000050e-03, v6;
	v23 =	vmul.f32 v14, v8  }
0x5b: {  	v14 =	vmul.f32 v32, v16;
	v28 =	vshra.s32 v26, $0x1;
	v30 =	vmul.f32 $5.000000000e-01, v26  }
0x5c: {  	v2 =	vmul.f32 $1.000000050e-03, v2;
	v18 =	vmul.f32 $1.000000050e-03, v18;
	v6 =	vadd.f32 v6, v7  }
0x5d: {  	v33 =	vmul.f32 v14, v32;
	v9 =	vmul.f32 v23, v9;
	v28 =	vsub.s32 $0x5F3759DF, v28  }
0x5e: {  	v29 =	vmul.f32 $3.162277600e+01, v29;
	v2 =	vadd.f32 v2, v19;
	v19 =	vmul.f32 v28, v30  }
0x5f: {  	v3 =	vadd.f32 v18, v27;
	v14 =	vmul.f32 $5.000000000e-01, v6;
	v9 =	vmul.f32 v9, v23  }
0x60: {  	[tilespmem:s21+$0x5030] =	vst v26;
	v29 =	vadd.f32 $1.000000000e-15, v29;
	v7 =	vmul.f32 v28, v19;
	v18 =	vshra.s32 v2, $0x1  }
0x61: {  	[tilespmem:s21+$0x5000] =	vst v6;
	v19 =	vshra.s32 v3, $0x1;
	v8 =	vmul.f32 $5.000000000e-01, v2;
	v9 =	vsub.f32 $1.500000000e+00, v9  }
0x62: {  	[tilespmem:s21+$0x5020] =	vst v3;
	(erf) = vrcp.f32 v29;
	v27 =	vsub.s32 $0x5F3759DF, v18;
	v18 =	vmul.f32 $5.000000000e-01, v3  }
0x63: {  	[tilespmem:s21+$0x5010] =	vst v2;
	v16 =	vsub.s32 $0x5F3759DF, v19;
	v19 =	vmul.f32 v27, v8;
	v7 =	vsub.f32 $1.500000000e+00, v7  }
0x64: {  	s23 =	simm.s32 $0x80;
	v35 =	vshra.s32 v6, $0x1;
	[tilespmem:s22+$0x3030] =	vst v15;
	v9 =	vmul.f32 v9, v23;
	v23 =	vld [tilespmem:s22+$0x3000];
	v34 =	vmul.f32 v16, v18  }
0x65: {  	v35 =	vsub.s32 $0x5F3759DF, v35;
	v58 =	vld [tilespmem:s23+$0x5000];
	v36 =	vmul.f32 v28, v7;
	v19 =	vmul.f32 v27, v19  }
0x66: {  	v59 =	vld [tilespmem:s23+$0x5030];
	v7 =	vmul.f32 $1.000000010e-01, v25;
	v25 =	vmul.f32 v35, v14  }
0x67: {  	v33 =	vsub.f32 $1.500000000e+00, v33;
	v4 =	vmul.f32 v9, v4;
	v28 =	vmul.f32 v16, v34  }
0x68: {  	v9 =	vld [tilespmem:s23+$0x5020];
	v20 =	vmul.f32 v36, v30;
	v25 =	vmul.f32 v35, v25;
	v19 =	vsub.f32 $1.500000000e+00, v19  }
0x69: {  	v40 =	vmul.f32 $3.162277600e+01, v4;
	v28 =	vsub.f32 $1.500000000e+00, v28;
	v23 =	vmul.f32 $8.999999760e-01, v23  }
0x6a: {  	v20 =	vmul.f32 v20, v36;
	v24 =	vsub.f32 $1.500000000e+00, v25;
	v25 =	vmul.f32 v33, v32  }
0x6b: {  	v32 =	vmul.f32 $9.990000120e-01, v58;
	v33 =	vmul.f32 $9.990000120e-01, v59  }
0x6c: {  	v40 =	vadd.f32 $1.000000000e-15, v40;
	v16 =	vmul.f32 v16, v28;
	v28 =	vmul.f32 v27, v19  }
0x6d: {  	v19 =	vld [tilespmem:s21+$0x3030];
	v23 =	vadd.f32 v21, v23;
	v38 =	vpop (erf);
	v42 =	vmul.f32 $9.990000120e-01, v9;
	v24 =	vmul.f32 v35, v24  }
0x6e: {  	v27 =	vld [tilespmem:s23+$0x5010];
	v20 =	vsub.f32 $1.500000000e+00, v20;
	v15 =	vmul.f32 v38, v15;
	v11 =	vmul.f32 v25, v11  }
0x6f: {  	v21 =	vld [tilespmem:s23+$0x7010];
	(erf) = vrcp.f32 v40;
	v60 =	vmul.f32 v16, v18  }
0x70: {  	v39 =	vld [tilespmem:s23+$0x7000];
	v37 =	vmul.f32 v28, v8;
	[tilespmem:s22+$0x3000] =	vst v23;
	v20 =	vmul.f32 v20, v36  }
0x71: {  	v35 =	vmul.f32 v24, v14;
	v61 =	vld [tilespmem:s23+$0x7030];
	v11 =	vmul.f32 $3.162277600e+01, v11  }
0x72: {  	v57 =	vld [tilespmem:s22+$0x3010];
	v36 =	vmul.f32 v60, v16;
	v37 =	vmul.f32 v37, v28  }
0x73: {  	v30 =	vmul.f32 v20, v30;
	v41 =	vmul.f32 $8.999999760e-01, v19;
	v19 =	vld [tilespmem:s23+$0x7020];
	v11 =	vadd.f32 $1.000000000e-15, v11  }
0x74: {  	v27 =	vmul.f32 $9.990000120e-01, v27;
	v49 =	vmul.f32 v21, v21  }
0x75: {  	v30 =	vmul.f32 v30, v20;
	(erf) = vrcp.f32 v11  }
0x76: {  	v62 =	vsub.f32 $1.500000000e+00, v36;
	v9 =	vmul.f32 $1.000000010e-01, v61;
	v63 =	vmul.f32 v61, v61  }
0x77: {  	v29 =	vld [tilespmem:s22+$0x1030];
	v4 =	vsub.f32 $1.500000000e+00, v30;
	v30 =	vmul.f32 $9.999999770e-03, v15;
	v15 =	vmul.f32 $8.999999760e-01, v57  }
0x78: {  	v48 =	vsub.f32 $1.500000000e+00, v5;
	v43 =	vmul.f32 v19, v19;
	v5 =	vmul.f32 $1.000000010e-01, v19  }
0x79: {  	v36 =	vmul.f32 $1.000000050e-03, v63;
	v19 =	vmul.f32 v62, v16  }
0x7a: {  	v25 =	vadd.f32 v13, v31;
	v16 =	vmul.f32 v48, v22;
	v22 =	vmul.f32 v35, v24  }
0x7b: {  	v57 =	vpop (erf);
	v4 =	vmul.f32 v4, v20;
	v20 =	vmul.f32 v39, v39;
	v45 =	vadd.f32 v12, v15  }
0x7c: {  	v29 =	vsub.f32 v29, v30;
	v30 =	vmul.f32 $1.000000050e-03, v49;
	v60 =	vmul.f32 v57, v23  }
0x7d: {  	v12 =	vadd.f32 v36, v33;
	v13 =	vmul.f32 $1.000000050e-03, v43;
	v10 =	vmul.f32 v16, v10  }
0x7e: {  	v22 =	vsub.f32 $1.500000000e+00, v22;
	v26 =	vmul.f32 v4, v26;
	v4 =	vmul.f32 $1.000000010e-01, v21  }
0x7f: {  	v21 =	vmul.f32 $5.000000000e-01, v12;
	v16 =	vshra.s32 v12, $0x1;
	v31 =	vmul.f32 $3.162277600e+01, v10  }
0x80: {  	[tilespmem:s22+$0x3020] =	vst v25;
	v10 =	vadd.f32 v30, v27;
	v11 =	vadd.f32 v13, v42;
	v24 =	vmul.f32 v22, v24  }
0x81: {  	v50 =	vsub.s32 $0x5F3759DF, v16;
	v16 =	vmul.f32 $1.000000050e-03, v20;
	v55 =	vmul.f32 $3.162277600e+01, v26  }
0x82: {  	[tilespmem:s22+$0x3010] =	vst v45;
	v27 =	vadd.f32 $1.000000000e-15, v31;
	v30 =	vmul.f32 v50, v21;
	v22 =	vmul.f32 $5.000000000e-01, v10  }
0x83: {  	v20 =	vld [tilespmem:s21+$0x3020];
	v13 =	vshra.s32 v10, $0x1;
	v31 =	vmul.f32 v19, v18;
	v53 =	vmul.f32 v24, v14  }
0x84: {  	v58 =	vpop (erf);
	v16 =	vadd.f32 v16, v32;
	v51 =	vsub.s32 $0x5F3759DF, v13;
	(erf) = vrcp.f32 v27  }
0x85: {  	v13 =	vmul.f32 $5.000000000e-01, v11;
	v59 =	vadd.f32 $1.000000000e-15, v55;
	v25 =	vmul.f32 v58, v25  }
0x86: {  	v15 =	vld [tilespmem:s22+$0x1020];
	[tilespmem:s23+$0x5030] =	vst v12;
	v27 =	vmul.f32 v50, v30;
	v30 =	vshra.s32 v11, $0x1;
	v34 =	vmul.f32 v31, v19  }
0x87: {  	[tilespmem:s22+$0x1030] =	vst v29;
	v30 =	vsub.s32 $0x5F3759DF, v30;
	v29 =	vshra.s32 v16, $0x1;
	v14 =	vmul.f32 $5.000000000e-01, v16  }
0x88: {  	(erf) = vrcp.f32 v59;
	v18 =	vmul.f32 $8.999999760e-01, v20;
	v54 =	vsub.f32 $1.500000000e+00, v27  }
0x89: {  	v20 =	vmul.f32 v51, v22;
	v27 =	vadd.f32 v17, v41;
	v17 =	vmul.f32 v53, v24  }
0x8a: {  	[tilespmem:s23+$0x5020] =	vst v11;
	v52 =	vmul.f32 v30, v13;
	v31 =	vsub.s32 $0x5F3759DF, v29;
	v32 =	vmul.f32 v50, v54  }
0x8b: {  	[tilespmem:s23+$0x5000] =	vst v16;
	v62 =	vmul.f32 v31, v14;
	v29 =	vmul.f32 v51, v20;
	v17 =	vsub.f32 $1.500000000e+00, v17  }
0x8c: {  	v26 =	vld [tilespmem:s22+$0x1000];
	[tilespmem:s23+$0x5010] =	vst v10;
	v56 =	vmul.f32 v30, v52;
	v36 =	vmul.f32 v32, v21  }
0x8d: {  	v61 =	vld [tilespmem:s22+$0x1010];
	v20 =	vmul.f32 $1.000000010e-01, v39;
	v33 =	vmul.f32 v17, v24;
	v17 =	vsub.f32 $1.500000000e+00, v29;
	v23 =	vpop (erf)  }
0x8e: {  	v44 =	vsub.f32 $1.500000000e+00, v37;
	v36 =	vmul.f32 v36, v32;
	v23 =	vmul.f32 v23, v45  }
0x8f: {  	v63 =	vmul.f32 v31, v62;
	v38 =	vsub.f32 $1.500000000e+00, v56;
	v17 =	vmul.f32 v51, v17  }
0x90: {  	v35 =	vld [tilespmem:s21+$0x3000];
	v37 =	vsub.f32 $1.500000000e+00, v36;
	v36 =	vmul.f32 $9.999999770e-03, v25;
	v29 =	vmul.f32 $9.999999770e-03, v23  }
0x91: {  	v34 =	vsub.f32 $1.500000000e+00, v34;
	v24 =	vld [tilespmem:s21+$0x3010];
	v25 =	vmul.f32 v30, v38;
	v30 =	vmul.f32 v44, v28  }
0x92: {  	s24 =	simm.s32 $0x300;
	[tilespmem:s21+$0x3030] =	vst v27;
	v38 =	vsub.f32 $1.500000000e+00, v63;
	v23 =	vld [tilespmem:s21+$0x1030];
	v28 =	vsub.f32 v61, v29;
	v29 =	vmul.f32 $9.999999770e-03, v60  }
.LBB2_3:
0x93: {  	s25 =	sshra.s32 s24, $0x2;
	p0 =	sne.s32 s24, $0x7F00;
	s24 =	sadd.s32 $0x100, s24;
	v39 =	vld [tilespmem:s23+$0x3030];
	v32 =	vmul.f32 v37, v32;
	v34 =	vmul.f32 v34, v19;
	v15 =	vsub.f32 v15, v36  }
0x94: {  	v36 =	vmul.f32 v30, v8;
	v19 =	vld [tilespmem:s25+$0x5010];
	v31 =	vmul.f32 v31, v38;
	v26 =	vsub.f32 v26, v29;
	[tilespmem:s22+$0x1010] =	vst v28  }
0x95: {  	v8 =	vmov v22;
	v28 =	vmul.f32 $8.999999760e-01, v35;
	v29 =	vld [tilespmem:s25+$0x5000];
	v21 =	vmul.f32 v32, v21;
	[tilespmem:s22+$0x1020] =	vst v15  }
0x96: {  	v15 =	vmul.f32 v33, v6;
	v6 =	vmov v16;
	v22 =	vld [tilespmem:s25+$0x5030];
	v35 =	vmul.f32 v31, v14;
	[tilespmem:s22+$0x1000] =	vst v26;
	s22 =	smov.u32 s21;
	s21 =	smov.u32 s23;
	s23 =	smov.u32 s25  }
0x97: {  	v33 =	vmul.f32 v25, v13;
	v26 =	vmul.f32 v17, v8;
	v28 =	vadd.f32 v7, v28;
	v7 =	vmovc v20;
	v16 =	vld [tilespmem:s23+$0x5020]  }
0x98: {  	v36 =	vmul.f32 v36, v30;
	v21 =	vmul.f32 v21, v32;
	v20 =	vld [tilespmem:s23+$0x7010];
	v37 =	vpop (erf)  }
0x99: {  	v33 =	vmul.f32 v33, v25;
	v38 =	vld [tilespmem:s23+$0x7000];
	[tilespmem:s22+$0x3000] =	vst v28;
	v27 =	vmul.f32 v37, v27  }
0x9a: {  	v21 =	vsub.f32 $1.500000000e+00, v21;
	v37 =	vmul.f32 $9.990000120e-01, v29;
	v40 =	vld [tilespmem:s23+$0x7030];
	v29 =	vmul.f32 $3.162277600e+01, v15  }
0x9b: {  	v26 =	vmul.f32 v26, v17;
	v39 =	vmul.f32 $8.999999760e-01, v39;
	v33 =	vsub.f32 $1.500000000e+00, v33;
	v41 =	vld [tilespmem:s23+$0x7020]  }
0x9c: {  	v36 =	vsub.f32 $1.500000000e+00, v36;
	v27 =	vmul.f32 $9.999999770e-03, v27;
	v16 =	vmul.f32 $9.990000120e-01, v16;
	v15 =	vld [tilespmem:s22+$0x1020]  }
0x9d: {  	v42 =	vmul.f32 $9.990000120e-01, v19;
	v19 =	vmul.f32 $8.999999760e-01, v24;
	v43 =	vadd.f32 $1.000000000e-15, v29  }
0x9e: {  	v22 =	vmul.f32 $9.990000120e-01, v22;
	v21 =	vmul.f32 v21, v32;
	v29 =	vsub.f32 $1.500000000e+00, v26  }
0x9f: {  	v45 =	vadd.f32 v0, v19;
	v0 =	vmovc v4;
	v24 =	vmul.f32 v38, v38;
	v44 =	vmul.f32 $1.000000010e-01, v40  }
0xa0: {  	v32 =	vmul.f32 v21, v12;
	v19 =	vmul.f32 v40, v40;
	v40 =	vadd.f32 v1, v18;
	v1 =	vmovc v5  }
0xa1: {  	v4 =	vmul.f32 $1.000000010e-01, v20;
	v18 =	vmul.f32 v41, v41;
	[tilespmem:s22+$0x3010] =	vst v45  }
0xa2: {  	v5 =	vmul.f32 $1.000000010e-01, v41;
	v12 =	vmul.f32 $1.000000050e-03, v19;
	[tilespmem:s22+$0x3020] =	vst v40  }
0xa3: {  	v20 =	vmul.f32 v20, v20;
	v19 =	vmul.f32 v33, v25;
	v41 =	vld [tilespmem:s21+$0x3020]  }
0xa4: {  	v25 =	vmul.f32 v36, v30;
	v12 =	vadd.f32 v12, v22;
	v22 =	vmul.f32 v35, v31  }
0xa5: {  	v26 =	vmul.f32 v34, v3;
	v3 =	vmovc v11;
	v23 =	vsub.f32 v23, v27;
	v18 =	vmul.f32 $1.000000050e-03, v18  }
0xa6: {  	v25 =	vmul.f32 v25, v2;
	v2 =	vmovc v10;
	v11 =	vshra.s32 v12, $0x1;
	v21 =	vmul.f32 $5.000000000e-01, v12;
	[tilespmem:s23+$0x5030] =	vst v12  }
0xa7: {  	v26 =	vmul.f32 $3.162277600e+01, v26;
	v10 =	vmul.f32 $1.000000050e-03, v20;
	v20 =	vsub.s32 $0x5F3759DF, v11  }
0xa8: {  	v24 =	vmul.f32 $1.000000050e-03, v24;
	v11 =	vadd.f32 v18, v16;
	v18 =	vmul.f32 $3.162277600e+01, v25;
	[tilespmem:s22+$0x1030] =	vst v23  }
0xa9: {  	v10 =	vadd.f32 v10, v42;
	v25 =	vadd.f32 $1.000000000e-15, v26;
	v23 =	vmul.f32 v20, v21  }
0xaa: {  	v16 =	vadd.f32 v24, v37;
	v18 =	vadd.f32 $1.000000000e-15, v18;
	(erf) = vrcp.f32 v43  }
0xab: {  	v22 =	vsub.f32 $1.500000000e+00, v22;
	v23 =	vmul.f32 v20, v23;
	[tilespmem:s23+$0x5020] =	vst v11;
	(erf) = vrcp.f32 v25  }
0xac: {  	v24 =	vshra.s32 v10, $0x1;
	v25 =	vshra.s32 v11, $0x1;
	[tilespmem:s23+$0x5000] =	vst v16;
	v26 =	vld [tilespmem:s22+$0x1000];
	(erf) = vrcp.f32 v18  }
0xad: {  	v30 =	vmul.f32 v22, v31;
	v27 =	vshra.s32 v16, $0x1;
	v25 =	vsub.s32 $0x5F3759DF, v25  }
0xae: {  	v22 =	vmul.f32 $5.000000000e-01, v10;
	v42 =	vsub.s32 $0x5F3759DF, v24;
	v24 =	vmul.f32 v19, v13;
	[tilespmem:s23+$0x5010] =	vst v10  }
0xaf: {  	v13 =	vmul.f32 $5.000000000e-01, v11;
	v23 =	vsub.f32 $1.500000000e+00, v23;
	v18 =	vmul.f32 $8.999999760e-01, v41  }
0xb0: {  	v31 =	vsub.s32 $0x5F3759DF, v27;
	v27 =	vmul.f32 v42, v22;
	v33 =	vmul.f32 v24, v19  }
0xb1: {  	v43 =	vmul.f32 v30, v14;
	v34 =	vmul.f32 v25, v13;
	v41 =	vld [tilespmem:s22+$0x1010]  }
0xb2: {  	v36 =	vmul.f32 $3.162277600e+01, v32;
	v14 =	vmul.f32 $5.000000000e-01, v16;
	v24 =	vld [tilespmem:s21+$0x3010]  }
0xb3: {  	v37 =	vmul.f32 v42, v27;
	v27 =	vadd.f32 v9, v39;
	v34 =	vmul.f32 v25, v34;
	v9 =	vpop (erf)  }
0xb4: {  	v36 =	vadd.f32 $1.000000000e-15, v36;
	v32 =	vmul.f32 v20, v23;
	v23 =	vmul.f32 v43, v30;
	v35 =	vpop (erf)  }
0xb5: {  	v20 =	vmul.f32 $1.000000010e-01, v38;
	v38 =	vsub.f32 $1.500000000e+00, v34;
	v39 =	vmul.f32 v9, v28;
	v9 =	vpop (erf)  }
0xb6: {  	v43 =	vsub.f32 $1.500000000e+00, v23;
	v28 =	vmul.f32 v32, v21;
	[tilespmem:s21+$0x3030] =	vst v27;
	v45 =	vmul.f32 v9, v45;
	v9 =	vmovc v44  }
0xb7: {  	v34 =	vsub.f32 $1.500000000e+00, v33;
	v40 =	vmul.f32 v35, v40;
	v44 =	vmul.f32 v31, v14;
	v23 =	vld [tilespmem:s21+$0x1030]  }
.Ltmp0:
0xb8: {  	v46 =	vsub.f32 $1.500000000e+00, v37;
	v33 =	vmul.f32 v43, v30;
	v28 =	vmul.f32 v28, v32;
	(pc) =	sbr.rel @p0 .LBB2_3-.Ltmp0, $4  }
0xb9: {  	v43 =	vmul.f32 $9.999999770e-03, v45;
	v35 =	vld [tilespmem:s21+$0x3000];
	(erf) = vrcp.f32 v36  }
0xba: {  	v44 =	vmul.f32 v31, v44;
	v37 =	vsub.f32 $1.500000000e+00, v28;
	v36 =	vmul.f32 $9.999999770e-03, v40  }
0xbb: {  	v30 =	vmul.f32 v29, v17;
	v25 =	vmul.f32 v25, v38;
	v28 =	vsub.f32 v41, v43  }
0xbc: {  	v17 =	vmul.f32 v42, v46;
	v29 =	vmul.f32 $9.999999770e-03, v39;
	v38 =	vsub.f32 $1.500000000e+00, v44  }
0xbd: {  	v32 =	vmul.f32 v37, v32;
	v19 =	vmul.f32 v34, v19  }
0xbe: {  	v8 =	vmul.f32 v30, v8;
	v6 =	vmul.f32 v33, v6  }
0xbf: {  	v56 =	vmul.f32 v25, v13;
	v31 =	vmul.f32 v31, v38  }
0xc0: {  	v55 =	vmul.f32 v17, v22;
	v21 =	vmul.f32 v32, v21  }
0xc1: {  	v8 =	vmul.f32 v8, v30;
	v58 =	vmul.f32 v56, v25  }
0xc2: {  	v54 =	vmul.f32 v31, v14;
	v21 =	vmul.f32 v21, v32  }
0xc3: {  	v6 =	vmul.f32 $3.162277600e+01, v6;
	v3 =	vmul.f32 v19, v3;
	v8 =	vsub.f32 $1.500000000e+00, v8  }
0xc4: {  	v33 =	vmul.f32 v55, v17;
	v60 =	vmul.f32 v54, v31;
	v21 =	vsub.f32 $1.500000000e+00, v21  }
0xc5: {  	v3 =	vmul.f32 $3.162277600e+01, v3;
	v6 =	vadd.f32 $1.000000000e-15, v6;
	v8 =	vmul.f32 v8, v30  }
0xc6: {  	v63 =	vld [tilespmem:s23+$0x3030];
	[tilespmem:s22+$0x1010] =	vst v28;
	v28 =	vsub.f32 $1.500000000e+00, v33;
	v59 =	vmul.f32 v21, v32;
	v21 =	vsub.f32 $1.500000000e+00, v60  }
0xc7: {  	v61 =	vsub.f32 $1.500000000e+00, v58;
	v57 =	vpop (erf);
	(erf) = vrcp.f32 v6;
	v2 =	vmul.f32 v8, v2  }
0xc8: {  	v3 =	vadd.f32 $1.000000000e-15, v3;
	v33 =	vmul.f32 v28, v17;
	v30 =	vmul.f32 v21, v31  }
0xc9: {  	v2 =	vmul.f32 $3.162277600e+01, v2;
	v31 =	vmul.f32 v61, v25  }
0xca: {  	v15 =	vsub.f32 v15, v36;
	(erf) = vrcp.f32 v3;
	v32 =	vmul.f32 v30, v14  }
0xcb: {  	v36 =	vmul.f32 v33, v22;
	v2 =	vadd.f32 $1.000000000e-15, v2;
	v34 =	vmul.f32 v31, v13  }
0xcc: {  	v12 =	vmul.f32 v59, v12;
	v3 =	vmul.f32 v32, v30  }
0xcd: {  	(erf) = vrcp.f32 v2;
	v2 =	vmul.f32 v34, v31  }
0xce: {  	v62 =	vmul.f32 $8.999999760e-01, v24;
	v13 =	vmul.f32 v36, v33;
	v3 =	vsub.f32 $1.500000000e+00, v3  }
0xcf: {  	v27 =	vmul.f32 v57, v27;
	v12 =	vmul.f32 $3.162277600e+01, v12;
	v2 =	vsub.f32 $1.500000000e+00, v2  }
0xd0: {  	v53 =	vmul.f32 $8.999999760e-01, v35;
	v40 =	vsub.f32 $1.500000000e+00, v13;
	v3 =	vmul.f32 v3, v30  }
0xd1: {  	v27 =	vmul.f32 $9.999999770e-03, v27;
	v12 =	vadd.f32 $1.000000000e-15, v12;
	v2 =	vmul.f32 v2, v31  }
0xd2: {  	v26 =	vsub.f32 v26, v29;
	v6 =	vmul.f32 v40, v33;
	v3 =	vmul.f32 v3, v16  }
0xd3: {  	[tilespmem:s22+$0x1020] =	vst v15;
	v0 =	vadd.f32 v0, v62;
	(erf) = vrcp.f32 v12;
	v2 =	vmul.f32 v2, v11  }
0xd4: {  	v1 =	vadd.f32 v1, v18;
	[tilespmem:s22+$0x1000] =	vst v26;
	v6 =	vmul.f32 v6, v10;
	v3 =	vmul.f32 $3.162277600e+01, v3  }
0xd5: {  	v7 =	vadd.f32 v7, v53;
	v35 =	vld [tilespmem:s21+$0x1020];
	[tilespmem:s21+$0x3010] =	vst v0;
	v43 =	vpop (erf);
	v2 =	vmul.f32 $3.162277600e+01, v2  }
0xd6: {  	[tilespmem:s21+$0x3020] =	vst v1;
	v41 =	vld [tilespmem:s21+$0x1000];
	v37 =	vsub.f32 v23, v27;
	v45 =	vpop (erf);
	v6 =	vmul.f32 $3.162277600e+01, v6;
	v3 =	vadd.f32 $1.000000000e-15, v3  }
0xd7: {  	v42 =	vld [tilespmem:s21+$0x1010];
	[tilespmem:s21+$0x3000] =	vst v7;
	v39 =	vmul.f32 $8.999999760e-01, v63;
	v1 =	vmul.f32 v45, v1;
	v2 =	vadd.f32 $1.000000000e-15, v2  }
0xd8: {  	v38 =	vld [tilespmem:s23+$0x3020];
	[tilespmem:s21+$0x1030] =	vst v37;
	v7 =	vmul.f32 v43, v7;
	v6 =	vadd.f32 $1.000000000e-15, v6;
	(erf) = vrcp.f32 v3  }
0xd9: {  	v47 =	vld [tilespmem:s23+$0x3000];
	v1 =	vmul.f32 $9.999999770e-03, v1;
	v46 =	vpop (erf);
	(erf) = vrcp.f32 v2  }
0xda: {  	v0 =	vmul.f32 v46, v0;
	(erf) = vrcp.f32 v6  }
0xdb: {  	v9 =	vadd.f32 v9, v39;
	v44 =	vld [tilespmem:s23+$0x3010];
	v48 =	vmul.f32 $9.999999770e-03, v7  }
0xdc: {  	v49 =	vld [tilespmem:s23+$0x1030];
	v1 =	vsub.f32 v35, v1;
	v51 =	vpop (erf);
	v0 =	vmul.f32 $9.999999770e-03, v0  }
0xdd: {  	[tilespmem:s23+$0x3030] =	vst v9;
	v3 =	vsub.f32 v41, v48;
	v53 =	vmul.f32 v51, v9  }
0xde: {  	v50 =	vmul.f32 $8.999999760e-01, v47;
	[tilespmem:s21+$0x1020] =	vst v1;
	v0 =	vsub.f32 v42, v0  }
0xdf: {  	v55 =	vmul.f32 $8.999999760e-01, v38;
	[tilespmem:s21+$0x1000] =	vst v3;
	v1 =	vmul.f32 $9.999999770e-03, v53  }
0xe0: {  	v54 =	vmul.f32 $8.999999760e-01, v44;
	v52 =	vadd.f32 v20, v50;
	[tilespmem:s21+$0x1010] =	vst v0  }
0xe1: {  	v5 =	vadd.f32 v5, v55;
	v1 =	vsub.f32 v49, v1;
	v62 =	vld [tilespmem:s23+$0x1000];
	v58 =	vpop (erf)  }
0xe2: {  	v56 =	vadd.f32 v4, v54;
	v57 =	vld [tilespmem:s23+$0x1020];
	v59 =	vpop (erf);
	v0 =	vmul.f32 v58, v52  }
0xe3: {  	v60 =	vld [tilespmem:s23+$0x1010];
	[tilespmem:s23+$0x1030] =	vst v1;
	v61 =	vpop (erf);
	v1 =	vmul.f32 v59, v5  }
0xe4: {  	v3 =	vmul.f32 v61, v56;
	v0 =	vmul.f32 $9.999999770e-03, v0  }
0xe5: {  	[tilespmem:s23+$0x3000] =	vst v52;
	v1 =	vmul.f32 $9.999999770e-03, v1  }
0xe6: {  	[tilespmem:s23+$0x3010] =	vst v56;
	v63 =	vmul.f32 $9.999999770e-03, v3;
	v0 =	vsub.f32 v62, v0  }
0xe7: {  	[tilespmem:s23+$0x3020] =	vst v5;
	v1 =	vsub.f32 v57, v1  }
0xe8: {  	v2 =	vsub.f32 v60, v63;
	[tilespmem:s23+$0x1000] =	vst v0  }
0xe9: {  	[tilespmem:s23+$0x1020] =	vst v1  }
0xea: {  	[tilespmem:s23+$0x1010] =	vst v2  }
0xeb: {  	[hbm4b:s4+s13] =	stream.indirect.scatter [tilespmem:s15], [sflag:$0x1], $0x40, s20, s13, $0xb8;
	[tilespmem:$0x9000] =	vst v63  }
0xec: {  	_ = 	snop  }
0xed: {  	[hbm4b:s6+s13] =	stream.indirect.scatter [tilespmem:s16], [sflag:$0x1], $0x40, s20, s13, $0xb8;
	[tilespmem:$0x9000] =	vst v63  }
0xee: {  	_ = 	snop  }
0xef: {  	[hbm4b:s7+s13] =	stream.indirect.scatter [tilespmem:s17], [sflag:$0x1], $0x40, s20, s13, $0xb8;
	[tilespmem:$0x9000] =	vst v63  }
0xf0: {  	_ =	swait.ge [sflag:s11], $0x2000  }
0xf1: {  	[sflag:s11] =	ssyncset.done $0x0  }
0xf2: {  	s19 =	sadd.s32 $0x1, s19;
	[sflag:s11] =	ssyncadd.s32 $0xFFFFE000  }
0xf3: {  	p0 =	sne.s32 s19, $0x20;
	_ =	swait.ge [sflag:s11], $0x2000  }
.Ltmp1:
0xf4: {  	[sflag:s11] =	ssyncset.done $0x0;
	(pc) =	sbr.rel @p0 .LBB2_2-.Ltmp1, $4  }
0xf5: {  	[sflag:s11] =	ssyncadd.s32 $0xFFFFE000  }
0xf6: {  	_ =	swait.ge [sflag:s11], $0x2000  }
0xf7: {  	[sflag:s11] =	ssyncset.done $0x0  }
0xf8: {  	[sflag:s11] =	ssyncadd.s32 $0xFFFFE000  }
0xf9: {  	s18 =	sadd.s32 $0x1, s18  }
0xfa: {  	p0 =	sne.s32 s18, s9  }
.Ltmp2:
0xfb: {  	_ = 	snop;
	(pc) =	sbr.rel @p0 .LBB2_1-.Ltmp2, $1  }
0xfc: {  	_ =	sdelay $0x3  }
0xfd: {  	_ =	sfence.sel $0x180000  }
0xfe: {  	[bflag:$0x0] =	sbarrier.arrive $0xFFFF  }
0xff: {  	p0 =	sne.s32 s2, $0x0;
	_ =	strace $0x90000047  }
0x100: {  	s0 =	sadd.s32 @!p0 $0x100000, s0;
	[bflag:$0x2] =	sbarrier.arrive $0xFFFF  }
0x101: {  	[sflag:s0] =	ssyncadd.tile.s32 @!p0 $0x1;
	_ =	shalt  }
.Lfunc_end2:
_tile_overlayer_lowered:
.L_overlay_start_2:
0x102: {  	(tag) =	ssettag $0x2  }
0x103: {  	s0 =	rddreg [dreg:$0x0];
	s2 =	stileid.u32  }
0x104: {  	s1 =	rddreg [dreg:$0x1];
	p0 =	sne.s32 s2, $0x0  }
0x105: {  	s3 =	rddreg [dreg:$0x2];
	[bflag:$0x3] =	sbarrier.arrive $0xFFFF;
	s2 =	simm.s32 @!p0 $0x1C02  }
0x106: {  	[timem:s3], [sflag:s2] =	dma.local @!p0 [hbm:s0], s1  }
0x107: {  	s0 =	simm.s32 @!p0 $0x2  }
0x108: {  	_ =	swait.ge @!p0 [sflag:s0], s1  }
0x109: {  	s1 =	ssub.s32 @!p0 $0x0, s1;
	[sflag:s0] =	ssyncset.done @!p0 $0x0  }
0x10a: {  	[sflag:s0] =	ssyncadd.s32 @!p0 s1  }
0x10b: {  	[bflag:$0x3] =	sbarrier.arrive $0xFFFF  }
0x10c: {  	_ =	shalt  }

</sc_bundles>
